<compile_context>
chip_gen: v7x
topology: tpu7x:2x2x1
jax: 0.10.2.dev20260603
libtpu: 0.0.44.dev20260713+nightly
codegen_flags: <defaults>
</compile_context>

<pallas_src>
import functools

import jax
import jax.numpy as jnp
import numpy as np
from jax import lax
from jax.experimental import pallas as pl
from jax.experimental.pallas import tpu as pltpu
from jax.experimental.pallas import tpu_sc as plsc

_TABLE_SIZE = 524288
_NUM_LEVELS = 16
_MIN_RES = 16
_MAX_RES = 2048
_FEATURE_DIM = 2
_MASK = _TABLE_SIZE - 1
_ROW = _TABLE_SIZE * _NUM_LEVELS
_P1 = int(np.uint32(2654435761).astype(np.int32))
_P2 = int(np.uint32(805459861).astype(np.int32))

_mesh = plsc.VectorSubcoreMesh(core_axis_name="c", subcore_axis_name="s")


@functools.partial(
    pl.kernel,
    mesh=_mesh,
    out_type=jax.ShapeDtypeStruct((32,), jnp.float32),
    scratch_types=[
        pltpu.VMEM((16,), jnp.float32),
        pltpu.VMEM((16,), jnp.float32),
        pltpu.VMEM((16, 16), jnp.float32),
        pltpu.VMEM((32,), jnp.float32),
        pltpu.SemaphoreType.DMA,
    ],
)
def _encode(x_hbm, scal_hbm, table_hbm, out_hbm, x_v, scal_v, rows_v,
            out_v, sem):
    first = (lax.axis_index("c") == 0) & (lax.axis_index("s") == 0)

    @pl.when(first)
    def _():
        pltpu.sync_copy(x_hbm, x_v)
        pltpu.sync_copy(scal_hbm, scal_v)

        lanes = lax.iota(jnp.int32, 16)
        scal = scal_v[...]
        xvec = x_v[...]

        def permute(vec, idx):
            dnums = lax.GatherDimensionNumbers(
                offset_dims=(), collapsed_slice_dims=(0,),
                start_index_map=(0,))
            return lax.gather(
                vec, idx[:, None], dnums, slice_sizes=(1,),
                mode=lax.GatherScatterMode.PROMISE_IN_BOUNDS)

        def bcast_x(d):
            return permute(xvec, lanes * 0 + d)

        fi = []
        ci = []
        for d in range(3):
            s = bcast_x(d) * scal
            f = s.astype(jnp.int32)
            c = jnp.where(s > f.astype(jnp.float32), f + 1, f)
            fi.append(f)
            ci.append(c)

        pc = [ci[0], ci[1] * _P1, ci[2] * _P2]
        pf = [fi[0], fi[1] * _P1, fi[2] * _P2]
        offs = lanes * _TABLE_SIZE

        def hfn(a, b, c):
            return ((a ^ b ^ c) & _MASK) + offs

        hs = [
            hfn(pc[0], pc[1], pc[2]),
            hfn(pc[0], pc[1], pf[2]),
            hfn(pc[0], pf[1], pc[2]),
            hfn(pf[0], pc[1], pc[2]),
            hfn(pc[0], pf[1], pf[2]),
            hfn(pf[0], pc[1], pf[2]),
            hfn(pf[0], pf[1], pc[2]),
            hfn(pf[0], pf[1], pf[2]),
        ]
        copies = []
        for k in range(8):
            copies.append(
                pltpu.async_copy(table_hbm.at[hs[k]], rows_v.at[k], sem))
            copies.append(
                pltpu.async_copy(table_hbm.at[hs[k] + _ROW], rows_v.at[k + 8],
                                 sem))
        for c in copies:
            c.wait()

        po = []
        for r in range(3):
            t = lanes + 16 * r
            three = lanes * 0 + 3
            xv = permute(xvec, lax.rem(t, three))
            sv = permute(scal, lax.div(t, three))
            s = xv * sv
            po.append(s - s.astype(jnp.int32).astype(jnp.float32))

        enc = []
        for f in range(2):
            g = [rows_v[f * 8 + k] for k in range(8)]
            f03 = g[0] * po[0] + g[3] * (1 - po[0])
            f12 = g[1] * po[0] + g[2] * (1 - po[0])
            f56 = g[5] * po[0] + g[6] * (1 - po[0])
            f47 = g[4] * po[0] + g[7] * (1 - po[0])
            f0312 = f03 * po[1] + f12 * (1 - po[1])
            f4756 = f47 * po[1] + f56 * (1 - po[1])
            enc.append(f0312 * po[2] + f4756 * (1 - po[2]))

        two = lanes * 0 + 2
        half = lax.div(lanes, two)
        even = lax.rem(lanes, two) == 0
        lo = jnp.where(even, permute(enc[0], half), permute(enc[1], half))
        hi = jnp.where(even, permute(enc[0], half + 8), permute(enc[1], half + 8))
        out_v[pl.ds(0, 16)] = lo
        out_v[pl.ds(16, 16)] = hi
        pltpu.sync_copy(out_v, out_hbm)


def kernel(x, hash_table):
    levels = jnp.arange(_NUM_LEVELS)
    growth = jnp.exp(
        (jnp.log(jnp.float32(_MAX_RES)) - jnp.log(jnp.float32(_MIN_RES)))
        / (_NUM_LEVELS - 1))
    scalings = jnp.floor(_MIN_RES * growth ** levels).astype(jnp.float32)
    x16 = jnp.zeros((16,), jnp.float32).at[:3].set(x)
    flat = hash_table.reshape(-1)
    return _encode(x16, scalings, flat)

# --- scband reference (transcript-rebuilt; emitter-appended) ---
"""Pipeline reference for scband-multi-resolution-hash-encoding-644245095035 (READ-ONLY COPY).

The authoritative reference and input builder live on the scoring server;
editing this copy changes nothing except your own understanding.
"""

import jax, jax.numpy as jnp
import numpy as np

TABLE_SIZE = 524288
NUM_LEVELS = 16
MIN_RESOLUTION = 16
MAX_RESOLUTION = 2048
FEATURE_DIM = 2
SPATIAL_DIM = 3


def _hash_function(v, table_size, hash_offset):
    primes = jnp.asarray(np.array([1, 2654435761, 805459861], dtype=np.uint32).astype(np.int32))
    pre_xor = v * primes
    h = jnp.bitwise_xor(pre_xor[:, 0], pre_xor[:, 1])
    h = jnp.bitwise_xor(h, pre_xor[:, 2])
    h = h % table_size
    h = h + hash_offset
    return h


def _forward(x, hash_table):
    levels = jnp.arange(NUM_LEVELS)
    hash_offset = levels * TABLE_SIZE
    growth_factor = jnp.exp((jnp.log(jnp.float32(MAX_RESOLUTION)) - jnp.log(jnp.float32(MIN_RESOLUTION))) / (NUM_LEVELS - 1))
    scalings = jnp.floor(MIN_RESOLUTION * growth_factor ** levels)
    scalings = jnp.reshape(scalings, (NUM_LEVELS, 1))
    scaled = x * scalings
    scaled_c = jnp.ceil(scaled).astype(jnp.int32)
    scaled_f = jnp.floor(scaled).astype(jnp.int32)
    point_offset = jnp.reshape(scaled - scaled_f, (SPATIAL_DIM, NUM_LEVELS))
    v0 = scaled_c
    v1 = jnp.concatenate([scaled_c[:, 0:1], scaled_c[:, 1:2], scaled_f[:, 2:3]], axis=-1)
    v2 = jnp.concatenate([scaled_c[:, 0:1], scaled_f[:, 1:2], scaled_c[:, 2:3]], axis=-1)
    v3 = jnp.concatenate([scaled_f[:, 0:1], scaled_c[:, 1:2], scaled_c[:, 2:3]], axis=-1)
    v4 = jnp.concatenate([scaled_c[:, 0:1], scaled_f[:, 1:2], scaled_f[:, 2:3]], axis=-1)
    v5 = jnp.concatenate([scaled_f[:, 0:1], scaled_c[:, 1:2], scaled_f[:, 2:3]], axis=-1)
    v6 = jnp.concatenate([scaled_f[:, 0:1], scaled_f[:, 1:2], scaled_c[:, 2:3]], axis=-1)
    v7 = jnp.concatenate([scaled_f[:, 0:1], scaled_f[:, 1:2], scaled_f[:, 2:3]], axis=-1)
    h0 = _hash_function(v0, TABLE_SIZE, hash_offset)
    h1 = _hash_function(v1, TABLE_SIZE, hash_offset)
    h2 = _hash_function(v2, TABLE_SIZE, hash_offset)
    h3 = _hash_function(v3, TABLE_SIZE, hash_offset)
    h4 = _hash_function(v4, TABLE_SIZE, hash_offset)
    h5 = _hash_function(v5, TABLE_SIZE, hash_offset)
    h6 = _hash_function(v6, TABLE_SIZE, hash_offset)
    h7 = _hash_function(v7, TABLE_SIZE, hash_offset)
    f_0 = jnp.take(hash_table, h0, axis=1)
    f_1 = jnp.take(hash_table, h1, axis=1)
    f_2 = jnp.take(hash_table, h2, axis=1)
    f_3 = jnp.take(hash_table, h3, axis=1)
    f_4 = jnp.take(hash_table, h4, axis=1)
    f_5 = jnp.take(hash_table, h5, axis=1)
    f_6 = jnp.take(hash_table, h6, axis=1)
    f_7 = jnp.take(hash_table, h7, axis=1)
    f_03 = f_0 * point_offset[0:1, :] + f_3 * (1 - point_offset[0:1, :])
    f_12 = f_1 * point_offset[0:1, :] + f_2 * (1 - point_offset[0:1, :])
    f_56 = f_5 * point_offset[0:1, :] + f_6 * (1 - point_offset[0:1, :])
    f_47 = f_4 * point_offset[0:1, :] + f_7 * (1 - point_offset[0:1, :])
    f0312 = f_03 * point_offset[1:2, :] + f_12 * (1 - point_offset[1:2, :])
    f4756 = f_47 * point_offset[1:2, :] + f_56 * (1 - point_offset[1:2, :])
    encoded_value = f0312 * point_offset[2:3, :] + f4756 * (1 - point_offset[2:3, :])
    return jnp.ravel(jnp.transpose(encoded_value))


def setup_inputs(seed: int = 0):
    key = jax.random.key(seed)
    k1, k2 = jax.random.split(key)
    x = jax.random.uniform(k1, (SPATIAL_DIM,), dtype=jnp.float32)
    hash_table = jax.random.normal(k2, (FEATURE_DIM, TABLE_SIZE * NUM_LEVELS), dtype=jnp.float32)
    return {"x": x, "hash_table": hash_table}


def reference(x, hash_table):
    return _forward(x, hash_table)

if __name__ == "__main__":
    import jax
    _d = setup_inputs()
    print(jax.jit(kernel)(*tuple(_d.values())))

</pallas_src>

<mosaic_0001>
#map = affine_map<(d0, d1) -> (0)>
module attributes {stable_mosaic.version = 14 : i64} {
  func.func @_encode(%arg0: i32, %arg1: i32, %arg2: memref<16xf32, #tpu.memory_space<hbm>>, %arg3: memref<16xf32, #tpu.memory_space<hbm>>, %arg4: memref<16777216xf32, #tpu.memory_space<hbm>>, %arg5: memref<32xf32, #tpu.memory_space<hbm>>, %arg6: memref<16xf32, #tpu.memory_space<vmem>>, %arg7: memref<16xf32, #tpu.memory_space<vmem>>, %arg8: memref<16x16xf32, #tpu.memory_space<vmem>>, %arg9: memref<32xf32, #tpu.memory_space<vmem>>, %arg10: memref<!tpu.dma_semaphore, #tpu.memory_space<semaphore_mem>>) attributes {dimension_semantics = [#tpu.dimension_semantics<core_parallel>, #tpu.dimension_semantics<subcore_parallel>], iteration_bounds = array<i64: 2, 16>, scalar_prefetch = 0 : i64, scratch_operands = 5 : i64, tpu.core_type = #tpu.core_type<sc_vector_subcore>, window_params = [{transform_indices = #map}, {transform_indices = #map}, {transform_indices = #map}, {transform_indices = #map}]} {
    %eq3A = arith.constant 0 : i32
    %eq3A_0 = arith.cmpi eq, %arg0, %eq3A : i32
    %eq3A_1 = arith.constant 0 : i32
    %eq3A_2 = arith.cmpi eq, %arg1, %eq3A_1 : i32
    %and3A = arith.andi %eq3A_0, %eq3A_2 : i1
    %convert_element_type3A = arith.extui %and3A : i1 to i32
    %cond3A = arith.constant 0 : i32
    %cond3A_3 = arith.cmpi ne, %convert_element_type3A, %cond3A : i32
    scf.if %cond3A_3 {
      "tpu.region"() ({
        %run_scoped3A = tpu.sem_alloc : memref<!tpu.dma_semaphore, #tpu.memory_space<semaphore_mem>>
        tpu.enqueue_dma source(%arg2 : memref<16xf32, #tpu.memory_space<hbm>>) target(%arg6 : memref<16xf32, #tpu.memory_space<vmem>>) target_semaphore(%run_scoped3A : memref<!tpu.dma_semaphore, #tpu.memory_space<semaphore_mem>>)
        tpu.wait_dma2 semaphore(%run_scoped3A : memref<!tpu.dma_semaphore, #tpu.memory_space<semaphore_mem>>) src(%arg2 : memref<16xf32, #tpu.memory_space<hbm>>) dst(%arg6 : memref<16xf32, #tpu.memory_space<vmem>>)
        tpu.yield
      }) : () -> ()
      "tpu.region"() ({
        %run_scoped3A = tpu.sem_alloc : memref<!tpu.dma_semaphore, #tpu.memory_space<semaphore_mem>>
        tpu.enqueue_dma source(%arg3 : memref<16xf32, #tpu.memory_space<hbm>>) target(%arg7 : memref<16xf32, #tpu.memory_space<vmem>>) target_semaphore(%run_scoped3A : memref<!tpu.dma_semaphore, #tpu.memory_space<semaphore_mem>>)
        tpu.wait_dma2 semaphore(%run_scoped3A : memref<!tpu.dma_semaphore, #tpu.memory_space<semaphore_mem>>) src(%arg3 : memref<16xf32, #tpu.memory_space<hbm>>) dst(%arg7 : memref<16xf32, #tpu.memory_space<vmem>>)
        tpu.yield
      }) : () -> ()
      %iota3A = tpu.iota {dimensions = array<i32: 0>} : vector<16xi32>
      %get3A = arith.constant 0 : index
      %get3A_4 = tpu.vector_load %arg7[%get3A] {strides = array<i32>} : memref<16xf32, #tpu.memory_space<vmem>>, vector<16xf32>,
      %get3A_5 = vector.shape_cast %get3A_4 : vector<16xf32> to vector<16xf32>
      %get3A_6 = arith.constant 0 : index
      %get3A_7 = tpu.vector_load %arg6[%get3A_6] {strides = array<i32>} : memref<16xf32, #tpu.memory_space<vmem>>, vector<16xf32>,
      %get3A_8 = vector.shape_cast %get3A_7 : vector<16xf32> to vector<16xf32>
      %mul3A = arith.constant 0 : i32
      %mul3A_9 = vector.broadcast %mul3A : i32 to vector<16xi32>
      %mul3A_10 = arith.muli %iota3A, %mul3A_9 : vector<16xi32>
      %add3A = arith.constant 0 : i32
      %add3A_11 = vector.broadcast %add3A : i32 to vector<16xi32>
      %add3A_12 = arith.addi %mul3A_10, %add3A_11 : vector<16xi32>
      %broadcast_in_dim3A = vector.shape_cast %add3A_12 : vector<16xi32> to vector<16x1xi32>
      %gather3A = vector.shape_cast %broadcast_in_dim3A : vector<16x1xi32> to vector<16xi32>
      %gather3A_13 = tpu.dynamic_gather %get3A_8[%gather3A] in [0] : vector<16xf32>, vector<16xi32> -> vector<16xf32>
      %mul3A_14 = arith.mulf %gather3A_13, %get3A_5 : vector<16xf32>
      %convert_element_type3A_15 = arith.fptosi %mul3A_14 : vector<16xf32> to vector<16xi32>
      %convert_element_type3A_16 = arith.sitofp %convert_element_type3A_15 : vector<16xi32> to vector<16xf32>
      %gt3A = arith.cmpf ogt, %mul3A_14, %convert_element_type3A_16 : vector<16xf32>
      %add3A_17 = arith.constant 1 : i32
      %add3A_18 = vector.broadcast %add3A_17 : i32 to vector<16xi32>
      %add3A_19 = arith.addi %convert_element_type3A_15, %add3A_18 : vector<16xi32>
      %select_n3A = arith.select %gt3A, %add3A_19, %convert_element_type3A_15 : vector<16xi1>, vector<16xi32>
      %mul3A_20 = arith.constant 0 : i32
      %mul3A_21 = vector.broadcast %mul3A_20 : i32 to vector<16xi32>
      %mul3A_22 = arith.muli %iota3A, %mul3A_21 : vector<16xi32>
      %add3A_23 = arith.constant 1 : i32
      %add3A_24 = vector.broadcast %add3A_23 : i32 to vector<16xi32>
      %add3A_25 = arith.addi %mul3A_22, %add3A_24 : vector<16xi32>
      %broadcast_in_dim3A_26 = vector.shape_cast %add3A_25 : vector<16xi32> to vector<16x1xi32>
      %gather3A_27 = vector.shape_cast %broadcast_in_dim3A_26 : vector<16x1xi32> to vector<16xi32>
      %gather3A_28 = tpu.dynamic_gather %get3A_8[%gather3A_27] in [0] : vector<16xf32>, vector<16xi32> -> vector<16xf32>
      %mul3A_29 = arith.mulf %gather3A_28, %get3A_5 : vector<16xf32>
      %convert_element_type3A_30 = arith.fptosi %mul3A_29 : vector<16xf32> to vector<16xi32>
      %convert_element_type3A_31 = arith.sitofp %convert_element_type3A_30 : vector<16xi32> to vector<16xf32>
      %gt3A_32 = arith.cmpf ogt, %mul3A_29, %convert_element_type3A_31 : vector<16xf32>
      %add3A_33 = arith.constant 1 : i32
      %add3A_34 = vector.broadcast %add3A_33 : i32 to vector<16xi32>
      %add3A_35 = arith.addi %convert_element_type3A_30, %add3A_34 : vector<16xi32>
      %select_n3A_36 = arith.select %gt3A_32, %add3A_35, %convert_element_type3A_30 : vector<16xi1>, vector<16xi32>
      %mul3A_37 = arith.constant 0 : i32
      %mul3A_38 = vector.broadcast %mul3A_37 : i32 to vector<16xi32>
      %mul3A_39 = arith.muli %iota3A, %mul3A_38 : vector<16xi32>
      %add3A_40 = arith.constant 2 : i32
      %add3A_41 = vector.broadcast %add3A_40 : i32 to vector<16xi32>
      %add3A_42 = arith.addi %mul3A_39, %add3A_41 : vector<16xi32>
      %broadcast_in_dim3A_43 = vector.shape_cast %add3A_42 : vector<16xi32> to vector<16x1xi32>
      %gather3A_44 = vector.shape_cast %broadcast_in_dim3A_43 : vector<16x1xi32> to vector<16xi32>
      %gather3A_45 = tpu.dynamic_gather %get3A_8[%gather3A_44] in [0] : vector<16xf32>, vector<16xi32> -> vector<16xf32>
      %mul3A_46 = arith.mulf %gather3A_45, %get3A_5 : vector<16xf32>
      %convert_element_type3A_47 = arith.fptosi %mul3A_46 : vector<16xf32> to vector<16xi32>
      %convert_element_type3A_48 = arith.sitofp %convert_element_type3A_47 : vector<16xi32> to vector<16xf32>
      %gt3A_49 = arith.cmpf ogt, %mul3A_46, %convert_element_type3A_48 : vector<16xf32>
      %add3A_50 = arith.constant 1 : i32
      %add3A_51 = vector.broadcast %add3A_50 : i32 to vector<16xi32>
      %add3A_52 = arith.addi %convert_element_type3A_47, %add3A_51 : vector<16xi32>
      %select_n3A_53 = arith.select %gt3A_49, %add3A_52, %convert_element_type3A_47 : vector<16xi1>, vector<16xi32>
      %mul3A_54 = arith.constant -1640531535 : i32
      %mul3A_55 = vector.broadcast %mul3A_54 : i32 to vector<16xi32>
      %mul3A_56 = arith.muli %select_n3A_36, %mul3A_55 : vector<16xi32>
      %mul3A_57 = arith.constant 805459861 : i32
      %mul3A_58 = vector.broadcast %mul3A_57 : i32 to vector<16xi32>
      %mul3A_59 = arith.muli %select_n3A_53, %mul3A_58 : vector<16xi32>
      %mul3A_60 = arith.constant -1640531535 : i32
      %mul3A_61 = vector.broadcast %mul3A_60 : i32 to vector<16xi32>
      %mul3A_62 = arith.muli %convert_element_type3A_30, %mul3A_61 : vector<16xi32>
      %mul3A_63 = arith.constant 805459861 : i32
      %mul3A_64 = vector.broadcast %mul3A_63 : i32 to vector<16xi32>
      %mul3A_65 = arith.muli %convert_element_type3A_47, %mul3A_64 : vector<16xi32>
      %mul3A_66 = arith.constant 524288 : i32
      %mul3A_67 = vector.broadcast %mul3A_66 : i32 to vector<16xi32>
      %mul3A_68 = arith.muli %iota3A, %mul3A_67 : vector<16xi32>
      %xor3A = arith.xori %select_n3A, %mul3A_56 : vector<16xi32>
      %xor3A_69 = arith.xori %xor3A, %mul3A_59 : vector<16xi32>
      %and3A_70 = arith.constant 524287 : i32
      %and3A_71 = vector.broadcast %and3A_70 : i32 to vector<16xi32>
      %and3A_72 = arith.andi %xor3A_69, %and3A_71 : vector<16xi32>
      %add3A_73 = arith.addi %and3A_72, %mul3A_68 : vector<16xi32>
      %xor3A_74 = arith.xori %select_n3A, %mul3A_56 : vector<16xi32>
      %xor3A_75 = arith.xori %xor3A_74, %mul3A_65 : vector<16xi32>
      %and3A_76 = arith.constant 524287 : i32
      %and3A_77 = vector.broadcast %and3A_76 : i32 to vector<16xi32>
      %and3A_78 = arith.andi %xor3A_75, %and3A_77 : vector<16xi32>
      %add3A_79 = arith.addi %and3A_78, %mul3A_68 : vector<16xi32>
      %xor3A_80 = arith.xori %select_n3A, %mul3A_62 : vector<16xi32>
      %xor3A_81 = arith.xori %xor3A_80, %mul3A_59 : vector<16xi32>
      %and3A_82 = arith.constant 524287 : i32
      %and3A_83 = vector.broadcast %and3A_82 : i32 to vector<16xi32>
      %and3A_84 = arith.andi %xor3A_81, %and3A_83 : vector<16xi32>
      %add3A_85 = arith.addi %and3A_84, %mul3A_68 : vector<16xi32>
      %xor3A_86 = arith.xori %convert_element_type3A_15, %mul3A_56 : vector<16xi32>
      %xor3A_87 = arith.xori %xor3A_86, %mul3A_59 : vector<16xi32>
      %and3A_88 = arith.constant 524287 : i32
      %and3A_89 = vector.broadcast %and3A_88 : i32 to vector<16xi32>
      %and3A_90 = arith.andi %xor3A_87, %and3A_89 : vector<16xi32>
      %add3A_91 = arith.addi %and3A_90, %mul3A_68 : vector<16xi32>
      %xor3A_92 = arith.xori %select_n3A, %mul3A_62 : vector<16xi32>
      %xor3A_93 = arith.xori %xor3A_92, %mul3A_65 : vector<16xi32>
      %and3A_94 = arith.constant 524287 : i32
      %and3A_95 = vector.broadcast %and3A_94 : i32 to vector<16xi32>
      %and3A_96 = arith.andi %xor3A_93, %and3A_95 : vector<16xi32>
      %add3A_97 = arith.addi %and3A_96, %mul3A_68 : vector<16xi32>
      %xor3A_98 = arith.xori %convert_element_type3A_15, %mul3A_56 : vector<16xi32>
      %xor3A_99 = arith.xori %xor3A_98, %mul3A_65 : vector<16xi32>
      %and3A_100 = arith.constant 524287 : i32
      %and3A_101 = vector.broadcast %and3A_100 : i32 to vector<16xi32>
      %and3A_102 = arith.andi %xor3A_99, %and3A_101 : vector<16xi32>
      %add3A_103 = arith.addi %and3A_102, %mul3A_68 : vector<16xi32>
      %xor3A_104 = arith.xori %convert_element_type3A_15, %mul3A_62 : vector<16xi32>
      %xor3A_105 = arith.xori %xor3A_104, %mul3A_59 : vector<16xi32>
      %and3A_106 = arith.constant 524287 : i32
      %and3A_107 = vector.broadcast %and3A_106 : i32 to vector<16xi32>
      %and3A_108 = arith.andi %xor3A_105, %and3A_107 : vector<16xi32>
      %add3A_109 = arith.addi %and3A_108, %mul3A_68 : vector<16xi32>
      %xor3A_110 = arith.xori %convert_element_type3A_15, %mul3A_62 : vector<16xi32>
      %xor3A_111 = arith.xori %xor3A_110, %mul3A_65 : vector<16xi32>
      %and3A_112 = arith.constant 524287 : i32
      %and3A_113 = vector.broadcast %and3A_112 : i32 to vector<16xi32>
      %and3A_114 = arith.andi %xor3A_111, %and3A_113 : vector<16xi32>
      %add3A_115 = arith.addi %and3A_114, %mul3A_68 : vector<16xi32>
      %dma_start3A = arith.constant 0 : i32
      %dma_start3A_116 = arith.constant 0 : i32
      %dma_start3A_117 = tpu.memref_slice %arg8[%dma_start3A, %dma_start3A_116] : memref<16x16xf32, #tpu.memory_space<vmem>> -> memref<1x16xf32, #tpu.memory_space<vmem>>
      %dma_start3A_118 = tpu.memref_squeeze %dma_start3A_117 : memref<1x16xf32, #tpu.memory_space<vmem>> -> memref<16xf32, #tpu.memory_space<vmem>>
      %dma_start3A_119 = arith.constant 0 : i32
      %dma_start3A_120 = tpu.memref_slice %arg4[%dma_start3A_119] : memref<16777216xf32, #tpu.memory_space<hbm>> -> memref<16777216xf32, #tpu.memory_space<hbm>>
      tpu.enqueue_indirect_dma source(%dma_start3A_120 : memref<16777216xf32, #tpu.memory_space<hbm>>) target(%dma_start3A_118 : memref<16xf32, #tpu.memory_space<vmem>>) offsets(%add3A_73 : vector<16xi32>) semaphore(%arg10 : memref<!tpu.dma_semaphore, #tpu.memory_space<semaphore_mem>>)
      %add3A_121 = arith.constant 8388608 : i32
      %add3A_122 = vector.broadcast %add3A_121 : i32 to vector<16xi32>
      %add3A_123 = arith.addi %add3A_73, %add3A_122 : vector<16xi32>
      %dma_start3A_124 = arith.constant 8 : i32
      %dma_start3A_125 = arith.constant 0 : i32
      %dma_start3A_126 = tpu.memref_slice %arg8[%dma_start3A_124, %dma_start3A_125] : memref<16x16xf32, #tpu.memory_space<vmem>> -> memref<1x16xf32, #tpu.memory_space<vmem>>
      %dma_start3A_127 = tpu.memref_squeeze %dma_start3A_126 : memref<1x16xf32, #tpu.memory_space<vmem>> -> memref<16xf32, #tpu.memory_space<vmem>>
      %dma_start3A_128 = arith.constant 0 : i32
      %dma_start3A_129 = tpu.memref_slice %arg4[%dma_start3A_128] : memref<16777216xf32, #tpu.memory_space<hbm>> -> memref<16777216xf32, #tpu.memory_space<hbm>>
      tpu.enqueue_indirect_dma source(%dma_start3A_129 : memref<16777216xf32, #tpu.memory_space<hbm>>) target(%dma_start3A_127 : memref<16xf32, #tpu.memory_space<vmem>>) offsets(%add3A_123 : vector<16xi32>) semaphore(%arg10 : memref<!tpu.dma_semaphore, #tpu.memory_space<semaphore_mem>>)
      %dma_start3A_130 = arith.constant 1 : i32
      %dma_start3A_131 = arith.constant 0 : i32
      %dma_start3A_132 = tpu.memref_slice %arg8[%dma_start3A_130, %dma_start3A_131] : memref<16x16xf32, #tpu.memory_space<vmem>> -> memref<1x16xf32, #tpu.memory_space<vmem>>
      %dma_start3A_133 = tpu.memref_squeeze %dma_start3A_132 : memref<1x16xf32, #tpu.memory_space<vmem>> -> memref<16xf32, #tpu.memory_space<vmem>>
      %dma_start3A_134 = arith.constant 0 : i32
      %dma_start3A_135 = tpu.memref_slice %arg4[%dma_start3A_134] : memref<16777216xf32, #tpu.memory_space<hbm>> -> memref<16777216xf32, #tpu.memory_space<hbm>>
      tpu.enqueue_indirect_dma source(%dma_start3A_135 : memref<16777216xf32, #tpu.memory_space<hbm>>) target(%dma_start3A_133 : memref<16xf32, #tpu.memory_space<vmem>>) offsets(%add3A_79 : vector<16xi32>) semaphore(%arg10 : memref<!tpu.dma_semaphore, #tpu.memory_space<semaphore_mem>>)
      %add3A_136 = arith.constant 8388608 : i32
      %add3A_137 = vector.broadcast %add3A_136 : i32 to vector<16xi32>
      %add3A_138 = arith.addi %add3A_79, %add3A_137 : vector<16xi32>
      %dma_start3A_139 = arith.constant 9 : i32
      %dma_start3A_140 = arith.constant 0 : i32
      %dma_start3A_141 = tpu.memref_slice %arg8[%dma_start3A_139, %dma_start3A_140] : memref<16x16xf32, #tpu.memory_space<vmem>> -> memref<1x16xf32, #tpu.memory_space<vmem>>
      %dma_start3A_142 = tpu.memref_squeeze %dma_start3A_141 : memref<1x16xf32, #tpu.memory_space<vmem>> -> memref<16xf32, #tpu.memory_space<vmem>>
      %dma_start3A_143 = arith.constant 0 : i32
      %dma_start3A_144 = tpu.memref_slice %arg4[%dma_start3A_143] : memref<16777216xf32, #tpu.memory_space<hbm>> -> memref<16777216xf32, #tpu.memory_space<hbm>>
      tpu.enqueue_indirect_dma source(%dma_start3A_144 : memref<16777216xf32, #tpu.memory_space<hbm>>) target(%dma_start3A_142 : memref<16xf32, #tpu.memory_space<vmem>>) offsets(%add3A_138 : vector<16xi32>) semaphore(%arg10 : memref<!tpu.dma_semaphore, #tpu.memory_space<semaphore_mem>>)
      %dma_start3A_145 = arith.constant 2 : i32
      %dma_start3A_146 = arith.constant 0 : i32
      %dma_start3A_147 = tpu.memref_slice %arg8[%dma_start3A_145, %dma_start3A_146] : memref<16x16xf32, #tpu.memory_space<vmem>> -> memref<1x16xf32, #tpu.memory_space<vmem>>
      %dma_start3A_148 = tpu.memref_squeeze %dma_start3A_147 : memref<1x16xf32, #tpu.memory_space<vmem>> -> memref<16xf32, #tpu.memory_space<vmem>>
      %dma_start3A_149 = arith.constant 0 : i32
      %dma_start3A_150 = tpu.memref_slice %arg4[%dma_start3A_149] : memref<16777216xf32, #tpu.memory_space<hbm>> -> memref<16777216xf32, #tpu.memory_space<hbm>>
      tpu.enqueue_indirect_dma source(%dma_start3A_150 : memref<16777216xf32, #tpu.memory_space<hbm>>) target(%dma_start3A_148 : memref<16xf32, #tpu.memory_space<vmem>>) offsets(%add3A_85 : vector<16xi32>) semaphore(%arg10 : memref<!tpu.dma_semaphore, #tpu.memory_space<semaphore_mem>>)
      %add3A_151 = arith.constant 8388608 : i32
      %add3A_152 = vector.broadcast %add3A_151 : i32 to vector<16xi32>
      %add3A_153 = arith.addi %add3A_85, %add3A_152 : vector<16xi32>
      %dma_start3A_154 = arith.constant 10 : i32
      %dma_start3A_155 = arith.constant 0 : i32
      %dma_start3A_156 = tpu.memref_slice %arg8[%dma_start3A_154, %dma_start3A_155] : memref<16x16xf32, #tpu.memory_space<vmem>> -> memref<1x16xf32, #tpu.memory_space<vmem>>
      %dma_start3A_157 = tpu.memref_squeeze %dma_start3A_156 : memref<1x16xf32, #tpu.memory_space<vmem>> -> memref<16xf32, #tpu.memory_space<vmem>>
      %dma_start3A_158 = arith.constant 0 : i32
      %dma_start3A_159 = tpu.memref_slice %arg4[%dma_start3A_158] : memref<16777216xf32, #tpu.memory_space<hbm>> -> memref<16777216xf32, #tpu.memory_space<hbm>>
      tpu.enqueue_indirect_dma source(%dma_start3A_159 : memref<16777216xf32, #tpu.memory_space<hbm>>) target(%dma_start3A_157 : memref<16xf32, #tpu.memory_space<vmem>>) offsets(%add3A_153 : vector<16xi32>) semaphore(%arg10 : memref<!tpu.dma_semaphore, #tpu.memory_space<semaphore_mem>>)
      %dma_start3A_160 = arith.constant 3 : i32
      %dma_start3A_161 = arith.constant 0 : i32
      %dma_start3A_162 = tpu.memref_slice %arg8[%dma_start3A_160, %dma_start3A_161] : memref<16x16xf32, #tpu.memory_space<vmem>> -> memref<1x16xf32, #tpu.memory_space<vmem>>
      %dma_start3A_163 = tpu.memref_squeeze %dma_start3A_162 : memref<1x16xf32, #tpu.memory_space<vmem>> -> memref<16xf32, #tpu.memory_space<vmem>>
      %dma_start3A_164 = arith.constant 0 : i32
      %dma_start3A_165 = tpu.memref_slice %arg4[%dma_start3A_164] : memref<16777216xf32, #tpu.memory_space<hbm>> -> memref<16777216xf32, #tpu.memory_space<hbm>>
      tpu.enqueue_indirect_dma source(%dma_start3A_165 : memref<16777216xf32, #tpu.memory_space<hbm>>) target(%dma_start3A_163 : memref<16xf32, #tpu.memory_space<vmem>>) offsets(%add3A_91 : vector<16xi32>) semaphore(%arg10 : memref<!tpu.dma_semaphore, #tpu.memory_space<semaphore_mem>>)
      %add3A_166 = arith.constant 8388608 : i32
      %add3A_167 = vector.broadcast %add3A_166 : i32 to vector<16xi32>
      %add3A_168 = arith.addi %add3A_91, %add3A_167 : vector<16xi32>
      %dma_start3A_169 = arith.constant 11 : i32
      %dma_start3A_170 = arith.constant 0 : i32
      %dma_start3A_171 = tpu.memref_slice %arg8[%dma_start3A_169, %dma_start3A_170] : memref<16x16xf32, #tpu.memory_space<vmem>> -> memref<1x16xf32, #tpu.memory_space<vmem>>
      %dma_start3A_172 = tpu.memref_squeeze %dma_start3A_171 : memref<1x16xf32, #tpu.memory_space<vmem>> -> memref<16xf32, #tpu.memory_space<vmem>>
      %dma_start3A_173 = arith.constant 0 : i32
      %dma_start3A_174 = tpu.memref_slice %arg4[%dma_start3A_173] : memref<16777216xf32, #tpu.memory_space<hbm>> -> memref<16777216xf32, #tpu.memory_space<hbm>>
      tpu.enqueue_indirect_dma source(%dma_start3A_174 : memref<16777216xf32, #tpu.memory_space<hbm>>) target(%dma_start3A_172 : memref<16xf32, #tpu.memory_space<vmem>>) offsets(%add3A_168 : vector<16xi32>) semaphore(%arg10 : memref<!tpu.dma_semaphore, #tpu.memory_space<semaphore_mem>>)
      %dma_start3A_175 = arith.constant 4 : i32
      %dma_start3A_176 = arith.constant 0 : i32
      %dma_start3A_177 = tpu.memref_slice %arg8[%dma_start3A_175, %dma_start3A_176] : memref<16x16xf32, #tpu.memory_space<vmem>> -> memref<1x16xf32, #tpu.memory_space<vmem>>
      %dma_start3A_178 = tpu.memref_squeeze %dma_start3A_177 : memref<1x16xf32, #tpu.memory_space<vmem>> -> memref<16xf32, #tpu.memory_space<vmem>>
      %dma_start3A_179 = arith.constant 0 : i32
      %dma_start3A_180 = tpu.memref_slice %arg4[%dma_start3A_179] : memref<16777216xf32, #tpu.memory_space<hbm>> -> memref<16777216xf32, #tpu.memory_space<hbm>>
      tpu.enqueue_indirect_dma source(%dma_start3A_180 : memref<16777216xf32, #tpu.memory_space<hbm>>) target(%dma_start3A_178 : memref<16xf32, #tpu.memory_space<vmem>>) offsets(%add3A_97 : vector<16xi32>) semaphore(%arg10 : memref<!tpu.dma_semaphore, #tpu.memory_space<semaphore_mem>>)
      %add3A_181 = arith.constant 8388608 : i32
      %add3A_182 = vector.broadcast %add3A_181 : i32 to vector<16xi32>
      %add3A_183 = arith.addi %add3A_97, %add3A_182 : vector<16xi32>
      %dma_start3A_184 = arith.constant 12 : i32
      %dma_start3A_185 = arith.constant 0 : i32
      %dma_start3A_186 = tpu.memref_slice %arg8[%dma_start3A_184, %dma_start3A_185] : memref<16x16xf32, #tpu.memory_space<vmem>> -> memref<1x16xf32, #tpu.memory_space<vmem>>
      %dma_start3A_187 = tpu.memref_squeeze %dma_start3A_186 : memref<1x16xf32, #tpu.memory_space<vmem>> -> memref<16xf32, #tpu.memory_space<vmem>>
      %dma_start3A_188 = arith.constant 0 : i32
      %dma_start3A_189 = tpu.memref_slice %arg4[%dma_start3A_188] : memref<16777216xf32, #tpu.memory_space<hbm>> -> memref<16777216xf32, #tpu.memory_space<hbm>>
      tpu.enqueue_indirect_dma source(%dma_start3A_189 : memref<16777216xf32, #tpu.memory_space<hbm>>) target(%dma_start3A_187 : memref<16xf32, #tpu.memory_space<vmem>>) offsets(%add3A_183 : vector<16xi32>) semaphore(%arg10 : memref<!tpu.dma_semaphore, #tpu.memory_space<semaphore_mem>>)
      %dma_start3A_190 = arith.constant 5 : i32
      %dma_start3A_191 = arith.constant 0 : i32
      %dma_start3A_192 = tpu.memref_slice %arg8[%dma_start3A_190, %dma_start3A_191] : memref<16x16xf32, #tpu.memory_space<vmem>> -> memref<1x16xf32, #tpu.memory_space<vmem>>
      %dma_start3A_193 = tpu.memref_squeeze %dma_start3A_192 : memref<1x16xf32, #tpu.memory_space<vmem>> -> memref<16xf32, #tpu.memory_space<vmem>>
      %dma_start3A_194 = arith.constant 0 : i32
      %dma_start3A_195 = tpu.memref_slice %arg4[%dma_start3A_194] : memref<16777216xf32, #tpu.memory_space<hbm>> -> memref<16777216xf32, #tpu.memory_space<hbm>>
      tpu.enqueue_indirect_dma source(%dma_start3A_195 : memref<16777216xf32, #tpu.memory_space<hbm>>) target(%dma_start3A_193 : memref<16xf32, #tpu.memory_space<vmem>>) offsets(%add3A_103 : vector<16xi32>) semaphore(%arg10 : memref<!tpu.dma_semaphore, #tpu.memory_space<semaphore_mem>>)
      %add3A_196 = arith.constant 8388608 : i32
      %add3A_197 = vector.broadcast %add3A_196 : i32 to vector<16xi32>
      %add3A_198 = arith.addi %add3A_103, %add3A_197 : vector<16xi32>
      %dma_start3A_199 = arith.constant 13 : i32
      %dma_start3A_200 = arith.constant 0 : i32
      %dma_start3A_201 = tpu.memref_slice %arg8[%dma_start3A_199, %dma_start3A_200] : memref<16x16xf32, #tpu.memory_space<vmem>> -> memref<1x16xf32, #tpu.memory_space<vmem>>
      %dma_start3A_202 = tpu.memref_squeeze %dma_start3A_201 : memref<1x16xf32, #tpu.memory_space<vmem>> -> memref<16xf32, #tpu.memory_space<vmem>>
      %dma_start3A_203 = arith.constant 0 : i32
      %dma_start3A_204 = tpu.memref_slice %arg4[%dma_start3A_203] : memref<16777216xf32, #tpu.memory_space<hbm>> -> memref<16777216xf32, #tpu.memory_space<hbm>>
      tpu.enqueue_indirect_dma source(%dma_start3A_204 : memref<16777216xf32, #tpu.memory_space<hbm>>) target(%dma_start3A_202 : memref<16xf32, #tpu.memory_space<vmem>>) offsets(%add3A_198 : vector<16xi32>) semaphore(%arg10 : memref<!tpu.dma_semaphore, #tpu.memory_space<semaphore_mem>>)
      %dma_start3A_205 = arith.constant 6 : i32
      %dma_start3A_206 = arith.constant 0 : i32
      %dma_start3A_207 = tpu.memref_slice %arg8[%dma_start3A_205, %dma_start3A_206] : memref<16x16xf32, #tpu.memory_space<vmem>> -> memref<1x16xf32, #tpu.memory_space<vmem>>
      %dma_start3A_208 = tpu.memref_squeeze %dma_start3A_207 : memref<1x16xf32, #tpu.memory_space<vmem>> -> memref<16xf32, #tpu.memory_space<vmem>>
      %dma_start3A_209 = arith.constant 0 : i32
      %dma_start3A_210 = tpu.memref_slice %arg4[%dma_start3A_209] : memref<16777216xf32, #tpu.memory_space<hbm>> -> memref<16777216xf32, #tpu.memory_space<hbm>>
      tpu.enqueue_indirect_dma source(%dma_start3A_210 : memref<16777216xf32, #tpu.memory_space<hbm>>) target(%dma_start3A_208 : memref<16xf32, #tpu.memory_space<vmem>>) offsets(%add3A_109 : vector<16xi32>) semaphore(%arg10 : memref<!tpu.dma_semaphore, #tpu.memory_space<semaphore_mem>>)
      %add3A_211 = arith.constant 8388608 : i32
      %add3A_212 = vector.broadcast %add3A_211 : i32 to vector<16xi32>
      %add3A_213 = arith.addi %add3A_109, %add3A_212 : vector<16xi32>
      %dma_start3A_214 = arith.constant 14 : i32
      %dma_start3A_215 = arith.constant 0 : i32
      %dma_start3A_216 = tpu.memref_slice %arg8[%dma_start3A_214, %dma_start3A_215] : memref<16x16xf32, #tpu.memory_space<vmem>> -> memref<1x16xf32, #tpu.memory_space<vmem>>
      %dma_start3A_217 = tpu.memref_squeeze %dma_start3A_216 : memref<1x16xf32, #tpu.memory_space<vmem>> -> memref<16xf32, #tpu.memory_space<vmem>>
      %dma_start3A_218 = arith.constant 0 : i32
      %dma_start3A_219 = tpu.memref_slice %arg4[%dma_start3A_218] : memref<16777216xf32, #tpu.memory_space<hbm>> -> memref<16777216xf32, #tpu.memory_space<hbm>>
      tpu.enqueue_indirect_dma source(%dma_start3A_219 : memref<16777216xf32, #tpu.memory_space<hbm>>) target(%dma_start3A_217 : memref<16xf32, #tpu.memory_space<vmem>>) offsets(%add3A_213 : vector<16xi32>) semaphore(%arg10 : memref<!tpu.dma_semaphore, #tpu.memory_space<semaphore_mem>>)
      %dma_start3A_220 = arith.constant 7 : i32
      %dma_start3A_221 = arith.constant 0 : i32
      %dma_start3A_222 = tpu.memref_slice %arg8[%dma_start3A_220, %dma_start3A_221] : memref<16x16xf32, #tpu.memory_space<vmem>> -> memref<1x16xf32, #tpu.memory_space<vmem>>
      %dma_start3A_223 = tpu.memref_squeeze %dma_start3A_222 : memref<1x16xf32, #tpu.memory_space<vmem>> -> memref<16xf32, #tpu.memory_space<vmem>>
      %dma_start3A_224 = arith.constant 0 : i32
      %dma_start3A_225 = tpu.memref_slice %arg4[%dma_start3A_224] : memref<16777216xf32, #tpu.memory_space<hbm>> -> memref<16777216xf32, #tpu.memory_space<hbm>>
      tpu.enqueue_indirect_dma source(%dma_start3A_225 : memref<16777216xf32, #tpu.memory_space<hbm>>) target(%dma_start3A_223 : memref<16xf32, #tpu.memory_space<vmem>>) offsets(%add3A_115 : vector<16xi32>) semaphore(%arg10 : memref<!tpu.dma_semaphore, #tpu.memory_space<semaphore_mem>>)
      %add3A_226 = arith.constant 8388608 : i32
      %add3A_227 = vector.broadcast %add3A_226 : i32 to vector<16xi32>
      %add3A_228 = arith.addi %add3A_115, %add3A_227 : vector<16xi32>
      %dma_start3A_229 = arith.constant 15 : i32
      %dma_start3A_230 = arith.constant 0 : i32
      %dma_start3A_231 = tpu.memref_slice %arg8[%dma_start3A_229, %dma_start3A_230] : memref<16x16xf32, #tpu.memory_space<vmem>> -> memref<1x16xf32, #tpu.memory_space<vmem>>
      %dma_start3A_232 = tpu.memref_squeeze %dma_start3A_231 : memref<1x16xf32, #tpu.memory_space<vmem>> -> memref<16xf32, #tpu.memory_space<vmem>>
      %dma_start3A_233 = arith.constant 0 : i32
      %dma_start3A_234 = tpu.memref_slice %arg4[%dma_start3A_233] : memref<16777216xf32, #tpu.memory_space<hbm>> -> memref<16777216xf32, #tpu.memory_space<hbm>>
      tpu.enqueue_indirect_dma source(%dma_start3A_234 : memref<16777216xf32, #tpu.memory_space<hbm>>) target(%dma_start3A_232 : memref<16xf32, #tpu.memory_space<vmem>>) offsets(%add3A_228 : vector<16xi32>) semaphore(%arg10 : memref<!tpu.dma_semaphore, #tpu.memory_space<semaphore_mem>>)
      %dma_wait3A = arith.constant 0 : i32
      %dma_wait3A_235 = arith.constant 0 : i32
      %dma_wait3A_236 = tpu.memref_slice %arg8[%dma_wait3A, %dma_wait3A_235] : memref<16x16xf32, #tpu.memory_space<vmem>> -> memref<1x16xf32, #tpu.memory_space<vmem>>
      %dma_wait3A_237 = tpu.memref_squeeze %dma_wait3A_236 : memref<1x16xf32, #tpu.memory_space<vmem>> -> memref<16xf32, #tpu.memory_space<vmem>>
      %dma_wait3A_238 = arith.constant 0 : i32
      %dma_wait3A_239 = tpu.memref_slice %arg4[%dma_wait3A_238] : memref<16777216xf32, #tpu.memory_space<hbm>> -> memref<16777216xf32, #tpu.memory_space<hbm>>
      tpu.wait_indirect_dma semaphore(%arg10 : memref<!tpu.dma_semaphore, #tpu.memory_space<semaphore_mem>>) src(%dma_wait3A_239 : memref<16777216xf32, #tpu.memory_space<hbm>>) dst(%dma_wait3A_237 : memref<16xf32, #tpu.memory_space<vmem>>)
      %dma_wait3A_240 = arith.constant 8 : i32
      %dma_wait3A_241 = arith.constant 0 : i32
      %dma_wait3A_242 = tpu.memref_slice %arg8[%dma_wait3A_240, %dma_wait3A_241] : memref<16x16xf32, #tpu.memory_space<vmem>> -> memref<1x16xf32, #tpu.memory_space<vmem>>
      %dma_wait3A_243 = tpu.memref_squeeze %dma_wait3A_242 : memref<1x16xf32, #tpu.memory_space<vmem>> -> memref<16xf32, #tpu.memory_space<vmem>>
      %dma_wait3A_244 = arith.constant 0 : i32
      %dma_wait3A_245 = tpu.memref_slice %arg4[%dma_wait3A_244] : memref<16777216xf32, #tpu.memory_space<hbm>> -> memref<16777216xf32, #tpu.memory_space<hbm>>
      tpu.wait_indirect_dma semaphore(%arg10 : memref<!tpu.dma_semaphore, #tpu.memory_space<semaphore_mem>>) src(%dma_wait3A_245 : memref<16777216xf32, #tpu.memory_space<hbm>>) dst(%dma_wait3A_243 : memref<16xf32, #tpu.memory_space<vmem>>)
      %dma_wait3A_246 = arith.constant 1 : i32
      %dma_wait3A_247 = arith.constant 0 : i32
      %dma_wait3A_248 = tpu.memref_slice %arg8[%dma_wait3A_246, %dma_wait3A_247] : memref<16x16xf32, #tpu.memory_space<vmem>> -> memref<1x16xf32, #tpu.memory_space<vmem>>
      %dma_wait3A_249 = tpu.memref_squeeze %dma_wait3A_248 : memref<1x16xf32, #tpu.memory_space<vmem>> -> memref<16xf32, #tpu.memory_space<vmem>>
      %dma_wait3A_250 = arith.constant 0 : i32
      %dma_wait3A_251 = tpu.memref_slice %arg4[%dma_wait3A_250] : memref<16777216xf32, #tpu.memory_space<hbm>> -> memref<16777216xf32, #tpu.memory_space<hbm>>
      tpu.wait_indirect_dma semaphore(%arg10 : memref<!tpu.dma_semaphore, #tpu.memory_space<semaphore_mem>>) src(%dma_wait3A_251 : memref<16777216xf32, #tpu.memory_space<hbm>>) dst(%dma_wait3A_249 : memref<16xf32, #tpu.memory_space<vmem>>)
      %dma_wait3A_252 = arith.constant 9 : i32
      %dma_wait3A_253 = arith.constant 0 : i32
      %dma_wait3A_254 = tpu.memref_slice %arg8[%dma_wait3A_252, %dma_wait3A_253] : memref<16x16xf32, #tpu.memory_space<vmem>> -> memref<1x16xf32, #tpu.memory_space<vmem>>
      %dma_wait3A_255 = tpu.memref_squeeze %dma_wait3A_254 : memref<1x16xf32, #tpu.memory_space<vmem>> -> memref<16xf32, #tpu.memory_space<vmem>>
      %dma_wait3A_256 = arith.constant 0 : i32
      %dma_wait3A_257 = tpu.memref_slice %arg4[%dma_wait3A_256] : memref<16777216xf32, #tpu.memory_space<hbm>> -> memref<16777216xf32, #tpu.memory_space<hbm>>
      tpu.wait_indirect_dma semaphore(%arg10 : memref<!tpu.dma_semaphore, #tpu.memory_space<semaphore_mem>>) src(%dma_wait3A_257 : memref<16777216xf32, #tpu.memory_space<hbm>>) dst(%dma_wait3A_255 : memref<16xf32, #tpu.memory_space<vmem>>)
      %dma_wait3A_258 = arith.constant 2 : i32
      %dma_wait3A_259 = arith.constant 0 : i32
      %dma_wait3A_260 = tpu.memref_slice %arg8[%dma_wait3A_258, %dma_wait3A_259] : memref<16x16xf32, #tpu.memory_space<vmem>> -> memref<1x16xf32, #tpu.memory_space<vmem>>
      %dma_wait3A_261 = tpu.memref_squeeze %dma_wait3A_260 : memref<1x16xf32, #tpu.memory_space<vmem>> -> memref<16xf32, #tpu.memory_space<vmem>>
      %dma_wait3A_262 = arith.constant 0 : i32
      %dma_wait3A_263 = tpu.memref_slice %arg4[%dma_wait3A_262] : memref<16777216xf32, #tpu.memory_space<hbm>> -> memref<16777216xf32, #tpu.memory_space<hbm>>
      tpu.wait_indirect_dma semaphore(%arg10 : memref<!tpu.dma_semaphore, #tpu.memory_space<semaphore_mem>>) src(%dma_wait3A_263 : memref<16777216xf32, #tpu.memory_space<hbm>>) dst(%dma_wait3A_261 : memref<16xf32, #tpu.memory_space<vmem>>)
      %dma_wait3A_264 = arith.constant 10 : i32
      %dma_wait3A_265 = arith.constant 0 : i32
      %dma_wait3A_266 = tpu.memref_slice %arg8[%dma_wait3A_264, %dma_wait3A_265] : memref<16x16xf32, #tpu.memory_space<vmem>> -> memref<1x16xf32, #tpu.memory_space<vmem>>
      %dma_wait3A_267 = tpu.memref_squeeze %dma_wait3A_266 : memref<1x16xf32, #tpu.memory_space<vmem>> -> memref<16xf32, #tpu.memory_space<vmem>>
      %dma_wait3A_268 = arith.constant 0 : i32
      %dma_wait3A_269 = tpu.memref_slice %arg4[%dma_wait3A_268] : memref<16777216xf32, #tpu.memory_space<hbm>> -> memref<16777216xf32, #tpu.memory_space<hbm>>
      tpu.wait_indirect_dma semaphore(%arg10 : memref<!tpu.dma_semaphore, #tpu.memory_space<semaphore_mem>>) src(%dma_wait3A_269 : memref<16777216xf32, #tpu.memory_space<hbm>>) dst(%dma_wait3A_267 : memref<16xf32, #tpu.memory_space<vmem>>)
      %dma_wait3A_270 = arith.constant 3 : i32
      %dma_wait3A_271 = arith.constant 0 : i32
      %dma_wait3A_272 = tpu.memref_slice %arg8[%dma_wait3A_270, %dma_wait3A_271] : memref<16x16xf32, #tpu.memory_space<vmem>> -> memref<1x16xf32, #tpu.memory_space<vmem>>
      %dma_wait3A_273 = tpu.memref_squeeze %dma_wait3A_272 : memref<1x16xf32, #tpu.memory_space<vmem>> -> memref<16xf32, #tpu.memory_space<vmem>>
      %dma_wait3A_274 = arith.constant 0 : i32
      %dma_wait3A_275 = tpu.memref_slice %arg4[%dma_wait3A_274] : memref<16777216xf32, #tpu.memory_space<hbm>> -> memref<16777216xf32, #tpu.memory_space<hbm>>
      tpu.wait_indirect_dma semaphore(%arg10 : memref<!tpu.dma_semaphore, #tpu.memory_space<semaphore_mem>>) src(%dma_wait3A_275 : memref<16777216xf32, #tpu.memory_space<hbm>>) dst(%dma_wait3A_273 : memref<16xf32, #tpu.memory_space<vmem>>)
      %dma_wait3A_276 = arith.constant 11 : i32
      %dma_wait3A_277 = arith.constant 0 : i32
      %dma_wait3A_278 = tpu.memref_slice %arg8[%dma_wait3A_276, %dma_wait3A_277] : memref<16x16xf32, #tpu.memory_space<vmem>> -> memref<1x16xf32, #tpu.memory_space<vmem>>
      %dma_wait3A_279 = tpu.memref_squeeze %dma_wait3A_278 : memref<1x16xf32, #tpu.memory_space<vmem>> -> memref<16xf32, #tpu.memory_space<vmem>>
      %dma_wait3A_280 = arith.constant 0 : i32
      %dma_wait3A_281 = tpu.memref_slice %arg4[%dma_wait3A_280] : memref<16777216xf32, #tpu.memory_space<hbm>> -> memref<16777216xf32, #tpu.memory_space<hbm>>
      tpu.wait_indirect_dma semaphore(%arg10 : memref<!tpu.dma_semaphore, #tpu.memory_space<semaphore_mem>>) src(%dma_wait3A_281 : memref<16777216xf32, #tpu.memory_space<hbm>>) dst(%dma_wait3A_279 : memref<16xf32, #tpu.memory_space<vmem>>)
      %dma_wait3A_282 = arith.constant 4 : i32
      %dma_wait3A_283 = arith.constant 0 : i32
      %dma_wait3A_284 = tpu.memref_slice %arg8[%dma_wait3A_282, %dma_wait3A_283] : memref<16x16xf32, #tpu.memory_space<vmem>> -> memref<1x16xf32, #tpu.memory_space<vmem>>
      %dma_wait3A_285 = tpu.memref_squeeze %dma_wait3A_284 : memref<1x16xf32, #tpu.memory_space<vmem>> -> memref<16xf32, #tpu.memory_space<vmem>>
      %dma_wait3A_286 = arith.constant 0 : i32
      %dma_wait3A_287 = tpu.memref_slice %arg4[%dma_wait3A_286] : memref<16777216xf32, #tpu.memory_space<hbm>> -> memref<16777216xf32, #tpu.memory_space<hbm>>
      tpu.wait_indirect_dma semaphore(%arg10 : memref<!tpu.dma_semaphore, #tpu.memory_space<semaphore_mem>>) src(%dma_wait3A_287 : memref<16777216xf32, #tpu.memory_space<hbm>>) dst(%dma_wait3A_285 : memref<16xf32, #tpu.memory_space<vmem>>)
      %dma_wait3A_288 = arith.constant 12 : i32
      %dma_wait3A_289 = arith.constant 0 : i32
      %dma_wait3A_290 = tpu.memref_slice %arg8[%dma_wait3A_288, %dma_wait3A_289] : memref<16x16xf32, #tpu.memory_space<vmem>> -> memref<1x16xf32, #tpu.memory_space<vmem>>
      %dma_wait3A_291 = tpu.memref_squeeze %dma_wait3A_290 : memref<1x16xf32, #tpu.memory_space<vmem>> -> memref<16xf32, #tpu.memory_space<vmem>>
      %dma_wait3A_292 = arith.constant 0 : i32
      %dma_wait3A_293 = tpu.memref_slice %arg4[%dma_wait3A_292] : memref<16777216xf32, #tpu.memory_space<hbm>> -> memref<16777216xf32, #tpu.memory_space<hbm>>
      tpu.wait_indirect_dma semaphore(%arg10 : memref<!tpu.dma_semaphore, #tpu.memory_space<semaphore_mem>>) src(%dma_wait3A_293 : memref<16777216xf32, #tpu.memory_space<hbm>>) dst(%dma_wait3A_291 : memref<16xf32, #tpu.memory_space<vmem>>)
      %dma_wait3A_294 = arith.constant 5 : i32
      %dma_wait3A_295 = arith.constant 0 : i32
      %dma_wait3A_296 = tpu.memref_slice %arg8[%dma_wait3A_294, %dma_wait3A_295] : memref<16x16xf32, #tpu.memory_space<vmem>> -> memref<1x16xf32, #tpu.memory_space<vmem>>
      %dma_wait3A_297 = tpu.memref_squeeze %dma_wait3A_296 : memref<1x16xf32, #tpu.memory_space<vmem>> -> memref<16xf32, #tpu.memory_space<vmem>>
      %dma_wait3A_298 = arith.constant 0 : i32
      %dma_wait3A_299 = tpu.memref_slice %arg4[%dma_wait3A_298] : memref<16777216xf32, #tpu.memory_space<hbm>> -> memref<16777216xf32, #tpu.memory_space<hbm>>
      tpu.wait_indirect_dma semaphore(%arg10 : memref<!tpu.dma_semaphore, #tpu.memory_space<semaphore_mem>>) src(%dma_wait3A_299 : memref<16777216xf32, #tpu.memory_space<hbm>>) dst(%dma_wait3A_297 : memref<16xf32, #tpu.memory_space<vmem>>)
      %dma_wait3A_300 = arith.constant 13 : i32
      %dma_wait3A_301 = arith.constant 0 : i32
      %dma_wait3A_302 = tpu.memref_slice %arg8[%dma_wait3A_300, %dma_wait3A_301] : memref<16x16xf32, #tpu.memory_space<vmem>> -> memref<1x16xf32, #tpu.memory_space<vmem>>
      %dma_wait3A_303 = tpu.memref_squeeze %dma_wait3A_302 : memref<1x16xf32, #tpu.memory_space<vmem>> -> memref<16xf32, #tpu.memory_space<vmem>>
      %dma_wait3A_304 = arith.constant 0 : i32
      %dma_wait3A_305 = tpu.memref_slice %arg4[%dma_wait3A_304] : memref<16777216xf32, #tpu.memory_space<hbm>> -> memref<16777216xf32, #tpu.memory_space<hbm>>
      tpu.wait_indirect_dma semaphore(%arg10 : memref<!tpu.dma_semaphore, #tpu.memory_space<semaphore_mem>>) src(%dma_wait3A_305 : memref<16777216xf32, #tpu.memory_space<hbm>>) dst(%dma_wait3A_303 : memref<16xf32, #tpu.memory_space<vmem>>)
      %dma_wait3A_306 = arith.constant 6 : i32
      %dma_wait3A_307 = arith.constant 0 : i32
      %dma_wait3A_308 = tpu.memref_slice %arg8[%dma_wait3A_306, %dma_wait3A_307] : memref<16x16xf32, #tpu.memory_space<vmem>> -> memref<1x16xf32, #tpu.memory_space<vmem>>
      %dma_wait3A_309 = tpu.memref_squeeze %dma_wait3A_308 : memref<1x16xf32, #tpu.memory_space<vmem>> -> memref<16xf32, #tpu.memory_space<vmem>>
      %dma_wait3A_310 = arith.constant 0 : i32
      %dma_wait3A_311 = tpu.memref_slice %arg4[%dma_wait3A_310] : memref<16777216xf32, #tpu.memory_space<hbm>> -> memref<16777216xf32, #tpu.memory_space<hbm>>
      tpu.wait_indirect_dma semaphore(%arg10 : memref<!tpu.dma_semaphore, #tpu.memory_space<semaphore_mem>>) src(%dma_wait3A_311 : memref<16777216xf32, #tpu.memory_space<hbm>>) dst(%dma_wait3A_309 : memref<16xf32, #tpu.memory_space<vmem>>)
      %dma_wait3A_312 = arith.constant 14 : i32
      %dma_wait3A_313 = arith.constant 0 : i32
      %dma_wait3A_314 = tpu.memref_slice %arg8[%dma_wait3A_312, %dma_wait3A_313] : memref<16x16xf32, #tpu.memory_space<vmem>> -> memref<1x16xf32, #tpu.memory_space<vmem>>
      %dma_wait3A_315 = tpu.memref_squeeze %dma_wait3A_314 : memref<1x16xf32, #tpu.memory_space<vmem>> -> memref<16xf32, #tpu.memory_space<vmem>>
      %dma_wait3A_316 = arith.constant 0 : i32
      %dma_wait3A_317 = tpu.memref_slice %arg4[%dma_wait3A_316] : memref<16777216xf32, #tpu.memory_space<hbm>> -> memref<16777216xf32, #tpu.memory_space<hbm>>
      tpu.wait_indirect_dma semaphore(%arg10 : memref<!tpu.dma_semaphore, #tpu.memory_space<semaphore_mem>>) src(%dma_wait3A_317 : memref<16777216xf32, #tpu.memory_space<hbm>>) dst(%dma_wait3A_315 : memref<16xf32, #tpu.memory_space<vmem>>)
      %dma_wait3A_318 = arith.constant 7 : i32
      %dma_wait3A_319 = arith.constant 0 : i32
      %dma_wait3A_320 = tpu.memref_slice %arg8[%dma_wait3A_318, %dma_wait3A_319] : memref<16x16xf32, #tpu.memory_space<vmem>> -> memref<1x16xf32, #tpu.memory_space<vmem>>
      %dma_wait3A_321 = tpu.memref_squeeze %dma_wait3A_320 : memref<1x16xf32, #tpu.memory_space<vmem>> -> memref<16xf32, #tpu.memory_space<vmem>>
      %dma_wait3A_322 = arith.constant 0 : i32
      %dma_wait3A_323 = tpu.memref_slice %arg4[%dma_wait3A_322] : memref<16777216xf32, #tpu.memory_space<hbm>> -> memref<16777216xf32, #tpu.memory_space<hbm>>
      tpu.wait_indirect_dma semaphore(%arg10 : memref<!tpu.dma_semaphore, #tpu.memory_space<semaphore_mem>>) src(%dma_wait3A_323 : memref<16777216xf32, #tpu.memory_space<hbm>>) dst(%dma_wait3A_321 : memref<16xf32, #tpu.memory_space<vmem>>)
      %dma_wait3A_324 = arith.constant 15 : i32
      %dma_wait3A_325 = arith.constant 0 : i32
      %dma_wait3A_326 = tpu.memref_slice %arg8[%dma_wait3A_324, %dma_wait3A_325] : memref<16x16xf32, #tpu.memory_space<vmem>> -> memref<1x16xf32, #tpu.memory_space<vmem>>
      %dma_wait3A_327 = tpu.memref_squeeze %dma_wait3A_326 : memref<1x16xf32, #tpu.memory_space<vmem>> -> memref<16xf32, #tpu.memory_space<vmem>>
      %dma_wait3A_328 = arith.constant 0 : i32
      %dma_wait3A_329 = tpu.memref_slice %arg4[%dma_wait3A_328] : memref<16777216xf32, #tpu.memory_space<hbm>> -> memref<16777216xf32, #tpu.memory_space<hbm>>
      tpu.wait_indirect_dma semaphore(%arg10 : memref<!tpu.dma_semaphore, #tpu.memory_space<semaphore_mem>>) src(%dma_wait3A_329 : memref<16777216xf32, #tpu.memory_space<hbm>>) dst(%dma_wait3A_327 : memref<16xf32, #tpu.memory_space<vmem>>)
      %add3A_330 = arith.constant 0 : i32
      %add3A_331 = vector.broadcast %add3A_330 : i32 to vector<16xi32>
      %add3A_332 = arith.addi %iota3A, %add3A_331 : vector<16xi32>
      %mul3A_333 = arith.constant 0 : i32
      %mul3A_334 = vector.broadcast %mul3A_333 : i32 to vector<16xi32>
      %mul3A_335 = arith.muli %iota3A, %mul3A_334 : vector<16xi32>
      %add3A_336 = arith.constant 3 : i32
      %add3A_337 = vector.broadcast %add3A_336 : i32 to vector<16xi32>
      %add3A_338 = arith.addi %mul3A_335, %add3A_337 : vector<16xi32>
      %rem3A = arith.remsi %add3A_332, %add3A_338 : vector<16xi32>
      %broadcast_in_dim3A_339 = vector.shape_cast %rem3A : vector<16xi32> to vector<16x1xi32>
      %gather3A_340 = vector.shape_cast %broadcast_in_dim3A_339 : vector<16x1xi32> to vector<16xi32>
      %gather3A_341 = tpu.dynamic_gather %get3A_8[%gather3A_340] in [0] : vector<16xf32>, vector<16xi32> -> vector<16xf32>
      %div3A = arith.divsi %add3A_332, %add3A_338 : vector<16xi32>
      %broadcast_in_dim3A_342 = vector.shape_cast %div3A : vector<16xi32> to vector<16x1xi32>
      %gather3A_343 = vector.shape_cast %broadcast_in_dim3A_342 : vector<16x1xi32> to vector<16xi32>
      %gather3A_344 = tpu.dynamic_gather %get3A_5[%gather3A_343] in [0] : vector<16xf32>, vector<16xi32> -> vector<16xf32>
      %mul3A_345 = arith.mulf %gather3A_341, %gather3A_344 : vector<16xf32>
      %convert_element_type3A_346 = arith.fptosi %mul3A_345 : vector<16xf32> to vector<16xi32>
      %convert_element_type3A_347 = arith.sitofp %convert_element_type3A_346 : vector<16xi32> to vector<16xf32>
      %sub3A = arith.subf %mul3A_345, %convert_element_type3A_347 : vector<16xf32>
      %add3A_348 = arith.constant 16 : i32
      %add3A_349 = vector.broadcast %add3A_348 : i32 to vector<16xi32>
      %add3A_350 = arith.addi %iota3A, %add3A_349 : vector<16xi32>
      %mul3A_351 = arith.constant 0 : i32
      %mul3A_352 = vector.broadcast %mul3A_351 : i32 to vector<16xi32>
      %mul3A_353 = arith.muli %iota3A, %mul3A_352 : vector<16xi32>
      %add3A_354 = arith.constant 3 : i32
      %add3A_355 = vector.broadcast %add3A_354 : i32 to vector<16xi32>
      %add3A_356 = arith.addi %mul3A_353, %add3A_355 : vector<16xi32>
      %rem3A_357 = arith.remsi %add3A_350, %add3A_356 : vector<16xi32>
      %broadcast_in_dim3A_358 = vector.shape_cast %rem3A_357 : vector<16xi32> to vector<16x1xi32>
      %gather3A_359 = vector.shape_cast %broadcast_in_dim3A_358 : vector<16x1xi32> to vector<16xi32>
      %gather3A_360 = tpu.dynamic_gather %get3A_8[%gather3A_359] in [0] : vector<16xf32>, vector<16xi32> -> vector<16xf32>
      %div3A_361 = arith.divsi %add3A_350, %add3A_356 : vector<16xi32>
      %broadcast_in_dim3A_362 = vector.shape_cast %div3A_361 : vector<16xi32> to vector<16x1xi32>
      %gather3A_363 = vector.shape_cast %broadcast_in_dim3A_362 : vector<16x1xi32> to vector<16xi32>
      %gather3A_364 = tpu.dynamic_gather %get3A_5[%gather3A_363] in [0] : vector<16xf32>, vector<16xi32> -> vector<16xf32>
      %mul3A_365 = arith.mulf %gather3A_360, %gather3A_364 : vector<16xf32>
      %convert_element_type3A_366 = arith.fptosi %mul3A_365 : vector<16xf32> to vector<16xi32>
      %convert_element_type3A_367 = arith.sitofp %convert_element_type3A_366 : vector<16xi32> to vector<16xf32>
      %sub3A_368 = arith.subf %mul3A_365, %convert_element_type3A_367 : vector<16xf32>
      %add3A_369 = arith.constant 32 : i32
      %add3A_370 = vector.broadcast %add3A_369 : i32 to vector<16xi32>
      %add3A_371 = arith.addi %iota3A, %add3A_370 : vector<16xi32>
      %mul3A_372 = arith.constant 0 : i32
      %mul3A_373 = vector.broadcast %mul3A_372 : i32 to vector<16xi32>
      %mul3A_374 = arith.muli %iota3A, %mul3A_373 : vector<16xi32>
      %add3A_375 = arith.constant 3 : i32
      %add3A_376 = vector.broadcast %add3A_375 : i32 to vector<16xi32>
      %add3A_377 = arith.addi %mul3A_374, %add3A_376 : vector<16xi32>
      %rem3A_378 = arith.remsi %add3A_371, %add3A_377 : vector<16xi32>
      %broadcast_in_dim3A_379 = vector.shape_cast %rem3A_378 : vector<16xi32> to vector<16x1xi32>
      %gather3A_380 = vector.shape_cast %broadcast_in_dim3A_379 : vector<16x1xi32> to vector<16xi32>
      %gather3A_381 = tpu.dynamic_gather %get3A_8[%gather3A_380] in [0] : vector<16xf32>, vector<16xi32> -> vector<16xf32>
      %div3A_382 = arith.divsi %add3A_371, %add3A_377 : vector<16xi32>
      %broadcast_in_dim3A_383 = vector.shape_cast %div3A_382 : vector<16xi32> to vector<16x1xi32>
      %gather3A_384 = vector.shape_cast %broadcast_in_dim3A_383 : vector<16x1xi32> to vector<16xi32>
      %gather3A_385 = tpu.dynamic_gather %get3A_5[%gather3A_384] in [0] : vector<16xf32>, vector<16xi32> -> vector<16xf32>
      %mul3A_386 = arith.mulf %gather3A_381, %gather3A_385 : vector<16xf32>
      %convert_element_type3A_387 = arith.fptosi %mul3A_386 : vector<16xf32> to vector<16xi32>
      %convert_element_type3A_388 = arith.sitofp %convert_element_type3A_387 : vector<16xi32> to vector<16xf32>
      %sub3A_389 = arith.subf %mul3A_386, %convert_element_type3A_388 : vector<16xf32>
      %get3A_390 = arith.constant 0 : i32
      %get3A_391 = arith.index_cast %get3A_390 : i32 to index
      %get3A_392 = arith.constant 0 : index
      %get3A_393 = tpu.vector_load %arg8[%get3A_391, %get3A_392] {strides = array<i32>} : memref<16x16xf32, #tpu.memory_space<vmem>>, vector<1x16xf32>,
      %get3A_394 = vector.shape_cast %get3A_393 : vector<1x16xf32> to vector<16xf32>
      %get3A_395 = arith.constant 1 : i32
      %get3A_396 = arith.index_cast %get3A_395 : i32 to index
      %get3A_397 = arith.constant 0 : index
      %get3A_398 = tpu.vector_load %arg8[%get3A_396, %get3A_397] {strides = array<i32>} : memref<16x16xf32, #tpu.memory_space<vmem>>, vector<1x16xf32>,
      %get3A_399 = vector.shape_cast %get3A_398 : vector<1x16xf32> to vector<16xf32>
      %get3A_400 = arith.constant 2 : i32
      %get3A_401 = arith.index_cast %get3A_400 : i32 to index
      %get3A_402 = arith.constant 0 : index
      %get3A_403 = tpu.vector_load %arg8[%get3A_401, %get3A_402] {strides = array<i32>} : memref<16x16xf32, #tpu.memory_space<vmem>>, vector<1x16xf32>,
      %get3A_404 = vector.shape_cast %get3A_403 : vector<1x16xf32> to vector<16xf32>
      %get3A_405 = arith.constant 3 : i32
      %get3A_406 = arith.index_cast %get3A_405 : i32 to index
      %get3A_407 = arith.constant 0 : index
      %get3A_408 = tpu.vector_load %arg8[%get3A_406, %get3A_407] {strides = array<i32>} : memref<16x16xf32, #tpu.memory_space<vmem>>, vector<1x16xf32>,
      %get3A_409 = vector.shape_cast %get3A_408 : vector<1x16xf32> to vector<16xf32>
      %get3A_410 = arith.constant 4 : i32
      %get3A_411 = arith.index_cast %get3A_410 : i32 to index
      %get3A_412 = arith.constant 0 : index
      %get3A_413 = tpu.vector_load %arg8[%get3A_411, %get3A_412] {strides = array<i32>} : memref<16x16xf32, #tpu.memory_space<vmem>>, vector<1x16xf32>,
      %get3A_414 = vector.shape_cast %get3A_413 : vector<1x16xf32> to vector<16xf32>
      %get3A_415 = arith.constant 5 : i32
      %get3A_416 = arith.index_cast %get3A_415 : i32 to index
      %get3A_417 = arith.constant 0 : index
      %get3A_418 = tpu.vector_load %arg8[%get3A_416, %get3A_417] {strides = array<i32>} : memref<16x16xf32, #tpu.memory_space<vmem>>, vector<1x16xf32>,
      %get3A_419 = vector.shape_cast %get3A_418 : vector<1x16xf32> to vector<16xf32>
      %get3A_420 = arith.constant 6 : i32
      %get3A_421 = arith.index_cast %get3A_420 : i32 to index
      %get3A_422 = arith.constant 0 : index
      %get3A_423 = tpu.vector_load %arg8[%get3A_421, %get3A_422] {strides = array<i32>} : memref<16x16xf32, #tpu.memory_space<vmem>>, vector<1x16xf32>,
      %get3A_424 = vector.shape_cast %get3A_423 : vector<1x16xf32> to vector<16xf32>
      %get3A_425 = arith.constant 7 : i32
      %get3A_426 = arith.index_cast %get3A_425 : i32 to index
      %get3A_427 = arith.constant 0 : index
      %get3A_428 = tpu.vector_load %arg8[%get3A_426, %get3A_427] {strides = array<i32>} : memref<16x16xf32, #tpu.memory_space<vmem>>, vector<1x16xf32>,
      %get3A_429 = vector.shape_cast %get3A_428 : vector<1x16xf32> to vector<16xf32>
      %mul3A_430 = arith.mulf %get3A_394, %sub3A : vector<16xf32>
      %sub3A_431 = arith.constant 1.000000e+00 : f32
      %sub3A_432 = vector.broadcast %sub3A_431 : f32 to vector<16xf32>
      %sub3A_433 = arith.subf %sub3A_432, %sub3A : vector<16xf32>
      %mul3A_434 = arith.mulf %get3A_409, %sub3A_433 : vector<16xf32>
      %add3A_435 = arith.addf %mul3A_430, %mul3A_434 : vector<16xf32>
      %mul3A_436 = arith.mulf %get3A_399, %sub3A : vector<16xf32>
      %sub3A_437 = arith.constant 1.000000e+00 : f32
      %sub3A_438 = vector.broadcast %sub3A_437 : f32 to vector<16xf32>
      %sub3A_439 = arith.subf %sub3A_438, %sub3A : vector<16xf32>
      %mul3A_440 = arith.mulf %get3A_404, %sub3A_439 : vector<16xf32>
      %add3A_441 = arith.addf %mul3A_436, %mul3A_440 : vector<16xf32>
      %mul3A_442 = arith.mulf %get3A_419, %sub3A : vector<16xf32>
      %sub3A_443 = arith.constant 1.000000e+00 : f32
      %sub3A_444 = vector.broadcast %sub3A_443 : f32 to vector<16xf32>
      %sub3A_445 = arith.subf %sub3A_444, %sub3A : vector<16xf32>
      %mul3A_446 = arith.mulf %get3A_424, %sub3A_445 : vector<16xf32>
      %add3A_447 = arith.addf %mul3A_442, %mul3A_446 : vector<16xf32>
      %mul3A_448 = arith.mulf %get3A_414, %sub3A : vector<16xf32>
      %sub3A_449 = arith.constant 1.000000e+00 : f32
      %sub3A_450 = vector.broadcast %sub3A_449 : f32 to vector<16xf32>
      %sub3A_451 = arith.subf %sub3A_450, %sub3A : vector<16xf32>
      %mul3A_452 = arith.mulf %get3A_429, %sub3A_451 : vector<16xf32>
      %add3A_453 = arith.addf %mul3A_448, %mul3A_452 : vector<16xf32>
      %mul3A_454 = arith.mulf %add3A_435, %sub3A_368 : vector<16xf32>
      %sub3A_455 = arith.constant 1.000000e+00 : f32
      %sub3A_456 = vector.broadcast %sub3A_455 : f32 to vector<16xf32>
      %sub3A_457 = arith.subf %sub3A_456, %sub3A_368 : vector<16xf32>
      %mul3A_458 = arith.mulf %add3A_441, %sub3A_457 : vector<16xf32>
      %add3A_459 = arith.addf %mul3A_454, %mul3A_458 : vector<16xf32>
      %mul3A_460 = arith.mulf %add3A_453, %sub3A_368 : vector<16xf32>
      %sub3A_461 = arith.constant 1.000000e+00 : f32
      %sub3A_462 = vector.broadcast %sub3A_461 : f32 to vector<16xf32>
      %sub3A_463 = arith.subf %sub3A_462, %sub3A_368 : vector<16xf32>
      %mul3A_464 = arith.mulf %add3A_447, %sub3A_463 : vector<16xf32>
      %add3A_465 = arith.addf %mul3A_460, %mul3A_464 : vector<16xf32>
      %mul3A_466 = arith.mulf %add3A_459, %sub3A_389 : vector<16xf32>
      %sub3A_467 = arith.constant 1.000000e+00 : f32
      %sub3A_468 = vector.broadcast %sub3A_467 : f32 to vector<16xf32>
      %sub3A_469 = arith.subf %sub3A_468, %sub3A_389 : vector<16xf32>
      %mul3A_470 = arith.mulf %add3A_465, %sub3A_469 : vector<16xf32>
      %add3A_471 = arith.addf %mul3A_466, %mul3A_470 : vector<16xf32>
      %get3A_472 = arith.constant 8 : i32
      %get3A_473 = arith.index_cast %get3A_472 : i32 to index
      %get3A_474 = arith.constant 0 : index
      %get3A_475 = tpu.vector_load %arg8[%get3A_473, %get3A_474] {strides = array<i32>} : memref<16x16xf32, #tpu.memory_space<vmem>>, vector<1x16xf32>,
      %get3A_476 = vector.shape_cast %get3A_475 : vector<1x16xf32> to vector<16xf32>
      %get3A_477 = arith.constant 9 : i32
      %get3A_478 = arith.index_cast %get3A_477 : i32 to index
      %get3A_479 = arith.constant 0 : index
      %get3A_480 = tpu.vector_load %arg8[%get3A_478, %get3A_479] {strides = array<i32>} : memref<16x16xf32, #tpu.memory_space<vmem>>, vector<1x16xf32>,
      %get3A_481 = vector.shape_cast %get3A_480 : vector<1x16xf32> to vector<16xf32>
      %get3A_482 = arith.constant 10 : i32
      %get3A_483 = arith.index_cast %get3A_482 : i32 to index
      %get3A_484 = arith.constant 0 : index
      %get3A_485 = tpu.vector_load %arg8[%get3A_483, %get3A_484] {strides = array<i32>} : memref<16x16xf32, #tpu.memory_space<vmem>>, vector<1x16xf32>,
      %get3A_486 = vector.shape_cast %get3A_485 : vector<1x16xf32> to vector<16xf32>
      %get3A_487 = arith.constant 11 : i32
      %get3A_488 = arith.index_cast %get3A_487 : i32 to index
      %get3A_489 = arith.constant 0 : index
      %get3A_490 = tpu.vector_load %arg8[%get3A_488, %get3A_489] {strides = array<i32>} : memref<16x16xf32, #tpu.memory_space<vmem>>, vector<1x16xf32>,
      %get3A_491 = vector.shape_cast %get3A_490 : vector<1x16xf32> to vector<16xf32>
      %get3A_492 = arith.constant 12 : i32
      %get3A_493 = arith.index_cast %get3A_492 : i32 to index
      %get3A_494 = arith.constant 0 : index
      %get3A_495 = tpu.vector_load %arg8[%get3A_493, %get3A_494] {strides = array<i32>} : memref<16x16xf32, #tpu.memory_space<vmem>>, vector<1x16xf32>,
      %get3A_496 = vector.shape_cast %get3A_495 : vector<1x16xf32> to vector<16xf32>
      %get3A_497 = arith.constant 13 : i32
      %get3A_498 = arith.index_cast %get3A_497 : i32 to index
      %get3A_499 = arith.constant 0 : index
      %get3A_500 = tpu.vector_load %arg8[%get3A_498, %get3A_499] {strides = array<i32>} : memref<16x16xf32, #tpu.memory_space<vmem>>, vector<1x16xf32>,
      %get3A_501 = vector.shape_cast %get3A_500 : vector<1x16xf32> to vector<16xf32>
      %get3A_502 = arith.constant 14 : i32
      %get3A_503 = arith.index_cast %get3A_502 : i32 to index
      %get3A_504 = arith.constant 0 : index
      %get3A_505 = tpu.vector_load %arg8[%get3A_503, %get3A_504] {strides = array<i32>} : memref<16x16xf32, #tpu.memory_space<vmem>>, vector<1x16xf32>,
      %get3A_506 = vector.shape_cast %get3A_505 : vector<1x16xf32> to vector<16xf32>
      %get3A_507 = arith.constant 15 : i32
      %get3A_508 = arith.index_cast %get3A_507 : i32 to index
      %get3A_509 = arith.constant 0 : index
      %get3A_510 = tpu.vector_load %arg8[%get3A_508, %get3A_509] {strides = array<i32>} : memref<16x16xf32, #tpu.memory_space<vmem>>, vector<1x16xf32>,
      %get3A_511 = vector.shape_cast %get3A_510 : vector<1x16xf32> to vector<16xf32>
      %mul3A_512 = arith.mulf %get3A_476, %sub3A : vector<16xf32>
      %sub3A_513 = arith.constant 1.000000e+00 : f32
      %sub3A_514 = vector.broadcast %sub3A_513 : f32 to vector<16xf32>
      %sub3A_515 = arith.subf %sub3A_514, %sub3A : vector<16xf32>
      %mul3A_516 = arith.mulf %get3A_491, %sub3A_515 : vector<16xf32>
      %add3A_517 = arith.addf %mul3A_512, %mul3A_516 : vector<16xf32>
      %mul3A_518 = arith.mulf %get3A_481, %sub3A : vector<16xf32>
      %sub3A_519 = arith.constant 1.000000e+00 : f32
      %sub3A_520 = vector.broadcast %sub3A_519 : f32 to vector<16xf32>
      %sub3A_521 = arith.subf %sub3A_520, %sub3A : vector<16xf32>
      %mul3A_522 = arith.mulf %get3A_486, %sub3A_521 : vector<16xf32>
      %add3A_523 = arith.addf %mul3A_518, %mul3A_522 : vector<16xf32>
      %mul3A_524 = arith.mulf %get3A_501, %sub3A : vector<16xf32>
      %sub3A_525 = arith.constant 1.000000e+00 : f32
      %sub3A_526 = vector.broadcast %sub3A_525 : f32 to vector<16xf32>
      %sub3A_527 = arith.subf %sub3A_526, %sub3A : vector<16xf32>
      %mul3A_528 = arith.mulf %get3A_506, %sub3A_527 : vector<16xf32>
      %add3A_529 = arith.addf %mul3A_524, %mul3A_528 : vector<16xf32>
      %mul3A_530 = arith.mulf %get3A_496, %sub3A : vector<16xf32>
      %sub3A_531 = arith.constant 1.000000e+00 : f32
      %sub3A_532 = vector.broadcast %sub3A_531 : f32 to vector<16xf32>
      %sub3A_533 = arith.subf %sub3A_532, %sub3A : vector<16xf32>
      %mul3A_534 = arith.mulf %get3A_511, %sub3A_533 : vector<16xf32>
      %add3A_535 = arith.addf %mul3A_530, %mul3A_534 : vector<16xf32>
      %mul3A_536 = arith.mulf %add3A_517, %sub3A_368 : vector<16xf32>
      %sub3A_537 = arith.constant 1.000000e+00 : f32
      %sub3A_538 = vector.broadcast %sub3A_537 : f32 to vector<16xf32>
      %sub3A_539 = arith.subf %sub3A_538, %sub3A_368 : vector<16xf32>
      %mul3A_540 = arith.mulf %add3A_523, %sub3A_539 : vector<16xf32>
      %add3A_541 = arith.addf %mul3A_536, %mul3A_540 : vector<16xf32>
      %mul3A_542 = arith.mulf %add3A_535, %sub3A_368 : vector<16xf32>
      %sub3A_543 = arith.constant 1.000000e+00 : f32
      %sub3A_544 = vector.broadcast %sub3A_543 : f32 to vector<16xf32>
      %sub3A_545 = arith.subf %sub3A_544, %sub3A_368 : vector<16xf32>
      %mul3A_546 = arith.mulf %add3A_529, %sub3A_545 : vector<16xf32>
      %add3A_547 = arith.addf %mul3A_542, %mul3A_546 : vector<16xf32>
      %mul3A_548 = arith.mulf %add3A_541, %sub3A_389 : vector<16xf32>
      %sub3A_549 = arith.constant 1.000000e+00 : f32
      %sub3A_550 = vector.broadcast %sub3A_549 : f32 to vector<16xf32>
      %sub3A_551 = arith.subf %sub3A_550, %sub3A_389 : vector<16xf32>
      %mul3A_552 = arith.mulf %add3A_547, %sub3A_551 : vector<16xf32>
      %add3A_553 = arith.addf %mul3A_548, %mul3A_552 : vector<16xf32>
      %mul3A_554 = arith.constant 0 : i32
      %mul3A_555 = vector.broadcast %mul3A_554 : i32 to vector<16xi32>
      %mul3A_556 = arith.muli %iota3A, %mul3A_555 : vector<16xi32>
      %add3A_557 = arith.constant 2 : i32
      %add3A_558 = vector.broadcast %add3A_557 : i32 to vector<16xi32>
      %add3A_559 = arith.addi %mul3A_556, %add3A_558 : vector<16xi32>
      %div3A_560 = arith.divsi %iota3A, %add3A_559 : vector<16xi32>
      %rem3A_561 = arith.remsi %iota3A, %add3A_559 : vector<16xi32>
      %eq3A_562 = arith.constant 0 : i32
      %eq3A_563 = vector.broadcast %eq3A_562 : i32 to vector<16xi32>
      %eq3A_564 = arith.cmpi eq, %rem3A_561, %eq3A_563 : vector<16xi32>
      %broadcast_in_dim3A_565 = vector.shape_cast %div3A_560 : vector<16xi32> to vector<16x1xi32>
      %gather3A_566 = vector.shape_cast %broadcast_in_dim3A_565 : vector<16x1xi32> to vector<16xi32>
      %gather3A_567 = tpu.dynamic_gather %add3A_471[%gather3A_566] in [0] : vector<16xf32>, vector<16xi32> -> vector<16xf32>
      %broadcast_in_dim3A_568 = vector.shape_cast %div3A_560 : vector<16xi32> to vector<16x1xi32>
      %gather3A_569 = vector.shape_cast %broadcast_in_dim3A_568 : vector<16x1xi32> to vector<16xi32>
      %gather3A_570 = tpu.dynamic_gather %add3A_553[%gather3A_569] in [0] : vector<16xf32>, vector<16xi32> -> vector<16xf32>
      %select_n3A_571 = arith.select %eq3A_564, %gather3A_567, %gather3A_570 : vector<16xi1>, vector<16xf32>
      %add3A_572 = arith.constant 8 : i32
      %add3A_573 = vector.broadcast %add3A_572 : i32 to vector<16xi32>
      %add3A_574 = arith.addi %div3A_560, %add3A_573 : vector<16xi32>
      %broadcast_in_dim3A_575 = vector.shape_cast %add3A_574 : vector<16xi32> to vector<16x1xi32>
      %gather3A_576 = vector.shape_cast %broadcast_in_dim3A_575 : vector<16x1xi32> to vector<16xi32>
      %gather3A_577 = tpu.dynamic_gather %add3A_471[%gather3A_576] in [0] : vector<16xf32>, vector<16xi32> -> vector<16xf32>
      %add3A_578 = arith.constant 8 : i32
      %add3A_579 = vector.broadcast %add3A_578 : i32 to vector<16xi32>
      %add3A_580 = arith.addi %div3A_560, %add3A_579 : vector<16xi32>
      %broadcast_in_dim3A_581 = vector.shape_cast %add3A_580 : vector<16xi32> to vector<16x1xi32>
      %gather3A_582 = vector.shape_cast %broadcast_in_dim3A_581 : vector<16x1xi32> to vector<16xi32>
      %gather3A_583 = tpu.dynamic_gather %add3A_553[%gather3A_582] in [0] : vector<16xf32>, vector<16xi32> -> vector<16xf32>
      %select_n3A_584 = arith.select %eq3A_564, %gather3A_577, %gather3A_583 : vector<16xi1>, vector<16xf32>
      %swap3A = arith.constant 0 : index
      %swap3A_585 = tpu.vector_load %arg9[%swap3A] {strides = array<i32>} : memref<32xf32, #tpu.memory_space<vmem>>, vector<16xf32>,
      %swap3A_586 = vector.shape_cast %swap3A_585 : vector<16xf32> to vector<16xf32>
      %swap3A_587 = vector.shape_cast %select_n3A_571 : vector<16xf32> to vector<16xf32>
      tpu.vector_store %arg9[%swap3A], %swap3A_587 {strides = array<i32>} : memref<32xf32, #tpu.memory_space<vmem>>, vector<16xf32>,
      %swap3A_588 = arith.constant 16 : index
      %swap3A_589 = tpu.vector_load %arg9[%swap3A_588] {strides = array<i32>} : memref<32xf32, #tpu.memory_space<vmem>>, vector<16xf32>,
      %swap3A_590 = vector.shape_cast %swap3A_589 : vector<16xf32> to vector<16xf32>
      %swap3A_591 = vector.shape_cast %select_n3A_584 : vector<16xf32> to vector<16xf32>
      tpu.vector_store %arg9[%swap3A_588], %swap3A_591 {strides = array<i32>} : memref<32xf32, #tpu.memory_space<vmem>>, vector<16xf32>,
      "tpu.region"() ({
        %run_scoped3A = tpu.sem_alloc : memref<!tpu.dma_semaphore, #tpu.memory_space<semaphore_mem>>
        tpu.enqueue_dma source(%arg9 : memref<32xf32, #tpu.memory_space<vmem>>) target(%arg5 : memref<32xf32, #tpu.memory_space<hbm>>) target_semaphore(%run_scoped3A : memref<!tpu.dma_semaphore, #tpu.memory_space<semaphore_mem>>)
        tpu.wait_dma2 semaphore(%run_scoped3A : memref<!tpu.dma_semaphore, #tpu.memory_space<semaphore_mem>>) src(%arg9 : memref<32xf32, #tpu.memory_space<vmem>>) dst(%arg5 : memref<32xf32, #tpu.memory_space<hbm>>)
        tpu.yield
      }) : () -> ()
    } else {
    }
    return
  }
}

</mosaic_0001>

<sc_bundles>
// kernel: kernel.3.cloned.1.call-start
scs
__scs_entry_jumppad:
0x0: {  	(pc) =	sbr.rel $0x88, $3  }
0x1: {  	(tag) =	ssettag $0x0;
	lr =	simm.s32 $0x1  }
0x2: {  	[smem:$0x3F9F] =	sst lr;
	_ =	strace $0xD0000000  }
0x3: {  	_ = 	snop  }
0x4: {  	_ = 	snop  }
0x5: {  	_ = 	snop  }
0x6: {  	_ = 	snop  }
0x7: {  	_ = 	snop  }
__scs_overlays_trampoline_lowered:
0x8: {  	[smem:$0x3FAE] =	sst s0  }
0x9: {  	[smem:$0x3FAF] =	sst s1  }
0xa: {  	[smem:$0x3FB0] =	sst s2  }
0xb: {  	[smem:$0x3FB1] =	sst s3  }
0xc: {  	[smem:$0x3FB2] =	sst s4  }
0xd: {  	[smem:$0x3FB3] =	sst s5  }
0xe: {  	[smem:$0x3FB4] =	sst s6  }
0xf: {  	[smem:$0x3FB5] =	sst s7  }
0x10: {  	[smem:$0x3FB6] =	sst s8  }
0x11: {  	[smem:$0x3FB7] =	sst s9;
	s0 =	simm.s32 @!p0 $0x0  }
0x12: {  	s1 =	sld [smem:$0x3F9D];
	s0 =	simm.s32 @p0 $0x1  }
0x13: {  	[smem:$0x3FB8] =	sst s0;
	s0 =	simm.s32 @!p1 $0x0  }
0x14: {  	s2 =	sld [smem:$0x3F9C];
	s0 =	simm.s32 @p1 $0x1  }
0x15: {  	[smem:$0x3FB9] =	sst s0;
	s0 =	simm.s32 @!p2 $0x0  }
0x16: {  	s3 =	sld [smem:$0x3FDB];
	s0 =	simm.s32 @p2 $0x1  }
0x17: {  	s4 =	simm.s32 $0x1BF5;
	[smem:$0x3FBB] =	sst s0  }
0x18: {  	s0 =	sld [smem:$0x3F9E];
	_ =	swait.ge [sflag:s4], $0x0  }
0x19: {  	s7 =	sld [smem:$0x3F9F]  }
0x1a: {  	s8 =	sadd.s32 $0xFFFFE003, lr  }
0x1b: {  	s9 =	sadd.s32 $0xFFFFFEF7, lr;
	s5 =	simm.s32 $0xFFFFFFFF;
	p2 =	slt.u32 s8, $0xFFFFF086  }
0x1c: {  	p1 =	slt.u32 s9, $0xF7A;
	s5 =	simm.s32 @!p2 $0x0  }
0x1d: {  	s5 =	simm.s32 @p1 $0x1;
	p0 =	seq.s32 s7, s2  }
0x1e: {  	s7 =	smul.u32 @!p0 $0xF7A, s2;
	p2 =	seq.s32 @!p0 s5, $0x0  }
0x1f: {  	s9 =	smul.u32 $0xF7A, s1;
	s8 =	simm.s32 @!p0 $0x1BF5;
	p2 =	por !p2, p0  }
0x20: {  	[sflag:s8] =	ssyncset.s32 @!p0 $0xFFFFF086;
	s6 =	sadd.s32 @!p0 s3, s7;
	s7 =	simm.s32 @!p0 $0x108  }
0x21: {  	s3 =	sadd.s32 s3, s9;
	s6 =	sadd.s32 @!p0 $0x88, s6;
	s7 =	simm.s32 @p2 $0x1082  }
0x22: {  	[simem:s7], [sflag:s8] =	dma.local @!p0 [hbm:s6], $0xF7A  }
0x23: {  	s9 =	sor.u32 $0xD0000000, s2;
	s6 =	simm.s32 $0x108;
	_ =	swait.ge @!p0 [sflag:s8], $0x0  }
0x24: {  	s3 =	sadd.s32 $0x88, s3;
	s6 =	simm.s32 @!p1 $0x1082;
	[sflag:s4] =	ssyncset.s32 $0xFFFFF086  }
0x25: {  	[simem:s6], [sflag:s4] =	dma.local [hbm:s3], $0xF7A  }
0x26: {  	[smem:$0x3F9F] =	sst s1;
	(tag) =	ssettag s2;
	_ =	strace s9  }
0x27: {  	s1 =	sld [smem:$0x3FAF]  }
0x28: {  	s2 =	sld [smem:$0x3FB0]  }
0x29: {  	s4 =	sld [smem:$0x3FB2]  }
0x2a: {  	p0 =	seq.s32 s5, $0x0;
	s5 =	sld [smem:$0x3FB3]  }
0x2b: {  	s6 =	sld [smem:$0x3FB4]  }
0x2c: {  	s7 =	sld [smem:$0x3FB5]  }
0x2d: {  	s3 =	simm.s32 $0x108;
	s8 =	sld [smem:$0x3FB6]  }
0x2e: {  	s3 =	simm.s32 @!p0 $0x1082;
	s9 =	sld [smem:$0x3FB7]  }
0x2f: {  	lr =	sadd.s32 s0, s3;
	s0 =	sld [smem:$0x3FAE]  }
0x30: {  	s3 =	sld [smem:$0x3FB1]  }
0x31: {  	[smem:$0x3FBA] =	sst s10  }
0x32: {  	s10 =	sld [smem:$0x3FB8];
	_ =	sdelay $0x3  }
0x33: {  	p0 =	seq.s32 s10, $0x1;
	s10 =	sld [smem:$0x3FBA];
	_ =	sdelay $0x3  }
0x34: {  	[smem:$0x3FBA] =	sst s10  }
0x35: {  	s10 =	sld [smem:$0x3FB9];
	_ =	sdelay $0x3  }
0x36: {  	p1 =	seq.s32 s10, $0x1;
	s10 =	sld [smem:$0x3FBA];
	_ =	sdelay $0x3  }
0x37: {  	[smem:$0x3FBA] =	sst s10  }
0x38: {  	s10 =	sld [smem:$0x3FBB]  }
0x39: {  	_ = 	snop;
	(pc) =	sbr.ind lr, $3  }
0x3a: {  	_ = 	snop  }
0x3b: {  	_ = 	snop  }
0x3c: {  	p2 =	seq.s32 s10, $0x1;
	s10 =	sld [smem:$0x3FBA]  }
0x3d: {  	_ =	shalt  }
0x3e: {  	_ =	shalt  }
0x3f: {  	_ =	shalt  }
0x40: {  	_ =	shalt  }
0x41: {  	_ =	shalt  }
0x42: {  	_ =	shalt  }
0x43: {  	_ =	shalt  }
0x44: {  	_ =	shalt  }
0x45: {  	_ =	shalt  }
0x46: {  	_ =	shalt  }
0x47: {  	_ =	shalt  }
0x48: {  	_ =	shalt  }
0x49: {  	_ =	shalt  }
0x4a: {  	_ =	shalt  }
0x4b: {  	_ =	shalt  }
0x4c: {  	_ =	shalt  }
0x4d: {  	_ =	shalt  }
0x4e: {  	_ =	shalt  }
0x4f: {  	_ =	shalt  }
0x50: {  	_ =	shalt  }
0x51: {  	_ =	shalt  }
0x52: {  	_ =	shalt  }
0x53: {  	_ =	shalt  }
0x54: {  	_ =	shalt  }
0x55: {  	_ =	shalt  }
0x56: {  	_ =	shalt  }
0x57: {  	_ =	shalt  }
0x58: {  	_ =	shalt  }
0x59: {  	_ =	shalt  }
0x5a: {  	_ =	shalt  }
0x5b: {  	_ =	shalt  }
0x5c: {  	_ =	shalt  }
0x5d: {  	_ =	shalt  }
0x5e: {  	_ =	shalt  }
0x5f: {  	_ =	shalt  }
0x60: {  	_ =	shalt  }
0x61: {  	_ =	shalt  }
0x62: {  	_ =	shalt  }
0x63: {  	_ =	shalt  }
0x64: {  	_ =	shalt  }
0x65: {  	_ =	shalt  }
0x66: {  	_ =	shalt  }
0x67: {  	_ =	shalt  }
0x68: {  	_ =	shalt  }
0x69: {  	_ =	shalt  }
0x6a: {  	_ =	shalt  }
0x6b: {  	_ =	shalt  }
0x6c: {  	_ =	shalt  }
0x6d: {  	_ =	shalt  }
0x6e: {  	_ =	shalt  }
0x6f: {  	_ =	shalt  }
0x70: {  	_ =	shalt  }
0x71: {  	_ =	shalt  }
0x72: {  	_ =	shalt  }
0x73: {  	_ =	shalt  }
0x74: {  	_ =	shalt  }
0x75: {  	_ =	shalt  }
0x76: {  	_ =	shalt  }
0x77: {  	_ =	shalt  }
0x78: {  	_ =	shalt  }
0x79: {  	_ =	shalt  }
0x7a: {  	_ =	shalt  }
0x7b: {  	_ =	shalt  }
0x7c: {  	_ =	shalt  }
0x7d: {  	_ =	shalt  }
0x7e: {  	_ =	shalt  }
0x7f: {  	_ =	shalt  }
0x80: {  	_ =	shalt  }
0x81: {  	_ =	shalt  }
0x82: {  	_ =	shalt  }
0x83: {  	_ =	shalt  }
0x84: {  	_ =	shalt  }
0x85: {  	_ =	shalt  }
0x86: {  	_ =	shalt  }
0x87: {  	_ =	shalt  }
.Lfunc_end0:
.L_simem_size_0:
called_computation.1_lowered:
.L_overlay_start_0:
0x88: {  	s2 =	sld [smem:$0x3FD9]  }
0x89: {  	s3 =	sld [smem:$0x3FFE];
	_ =	sdelay $0x1  }
0x8a: {  	s1 =	srdreg.scid  }
0x8b: {  	s0 =	sand.u32 $0x1, s1  }
0x8c: {  	s17 =	sshll.u32 s0, $0xA;
	s2 =	sadd.s32 s3, s2  }
0x8d: {  	s2 =	sadd.s32 s2, s17  }
0x8e: {  	[smem:$0x3FC6] =	sst s2  }
0x8f: {  	_ = 	snop  }
0x90: {  	s2 =	sld [smem:$0x3FD0];
	(tm) =	ssettm $0x1  }
0x91: {  	s18 =	sld [smem:$0x3FFB];
	_ =	sdelay $0x3  }
0x92: {  	_ =	strace s18  }
0x93: {  	s3 =	sld [smem:$0x3FFC];
	_ =	sdelay $0x3  }
0x94: {  	_ =	strace s3  }
0x95: {  	s3 =	sld [smem:$0x3FFD];
	_ =	sdelay $0x3  }
0x96: {  	_ =	strace s3  }
0x97: {  	_ =	strace $0x8FFFFFFF  }
0x98: {  	s19 =	sld [smem:$0x3FDB];
	_ =	sdelay $0x1  }
0x99: {  	s4 =	simm.s32 $_scs_section_size  }
0x9a: {  	s5 =	simm.s32 $_size__tile_overlayer_lowered;
	s6 =	simm.s32 $_tile_overlayer_lowered  }
0x9b: {  	s22 =	simm.s32 $0x1BFF;
	s21 =	sshll.u32 s6, $0x1;
	s3 =	sadd.s32 s4, s19  }
0x9c: {  	s7 =	simm.s32 $0x0;
	s20 =	sshll.u32 s5, $0x1;
	s5 =	sadd.s32 s21, s3  }
0x9d: {  	[timem:s7], [sflag:s22] =	dma.local [hbm:s5], s20  }
0x9e: {  	_ =	swait.ge [sflag:s22], s20  }
0x9f: {  	s4 =	ssub.s32 $0x0, s20;
	[sflag:s22] =	ssyncset.done $0x0  }
0xa0: {  	[sflag:s22] =	ssyncadd.s32 s4;
	_ =	sdelay $0x1  }
0xa1: {  	s23 =	simm.s32 $0x1B8B  }
0xa2: {  	_ =	swait.ge [sflag:s23], $0x1  }
0xa3: {  	[sflag:s23] =	ssyncset.done $0x0  }
0xa4: {  	s25 =	simm.s32 $0x1B8E;
	s24 =	sld [smem:$0x3FFE];
	[sflag:s23] =	ssyncadd.s32 $0xFFFFFFFF  }
0xa5: {  	s26 =	simm.s32 $execute0_lowered;
	[smem:$0x3FD2] =	sst s25  }
0xa6: {  	s5 =	sshll.u32 s26, $0x1;
	_ =	strace $0x80000049;
	[dreg:$0x1] =	wrdreg $0xFFFFFFFF  }
0xa7: {  	s28 =	simm.s32 $_size_execute0_lowered;
	s3 =	sadd.s32 s3, s5;
	[dreg:$0x0] =	wrdreg $0x0  }
0xa8: {  	s5 =	sshll.u32 s28, $0x1;
	[dreg:$0x2] =	wrdreg s3  }
0xa9: {  	[dreg:$0x3] =	wrdreg s5  }
0xaa: {  	[dreg:$0x4] =	wrdreg $0xC0  }
0xab: {  	_ =	task [dreg:s7], $0x5FFFF  }
0xac: {  	[dreg:$0x1] =	wrdreg $0xFFFFFFFF  }
0xad: {  	[dreg:$0x0] =	wrdreg $0x60  }
0xae: {  	[dreg:$0x2] =	wrdreg s24  }
0xaf: {  	[dreg:$0x3] =	wrdreg s2  }
0xb0: {  	[dreg:$0x4] =	wrdreg $0x9  }
0xb1: {  	_ =	task.clear_ibuf [dreg:s7], $0x5FFFF;
	_ =	strace $0x90000049  }
0xb2: {  	s29 =	simm.s32 $0x9;
	_ =	strace $0x8000004B  }
0xb3: {  	_ =	swait.ge [sflag:s29], $0x1  }
0xb4: {  	[sflag:s29] =	ssyncadd.s32 $0xFFFFFFFF  }
0xb5: {  	_ =	strace $0x9000004B  }
0xb6: {  	_ =	sfence  }
0xb7: {  	s30 =	sld [smem:$0x0];
	_ =	sdelay $0x2  }
0xb8: {  	s31 =	sshll.u32 s1, $0xD;
	s1 =	sshrl.u32 s1, $0x2  }
0xb9: {  	s3 =	sand.u32 $0x4000, s31;
	s1 =	sadd.s32 s1, s30  }
0xba: {  	s0 =	sor.u32 s3, s0;
	s1 =	sshll.u32 s1, $0x11  }
0xbb: {  	s0 =	sor.u32 s1, s0  }
0xbc: {  	s0 =	sadd.s32 $0x8F2B, s0  }
0xbd: {  	[sflag:s0] =	ssyncadd.remote.s32 $0x1  }
0xbe: {  	_ =	sfence.sel $0xFFFF  }
0xbf: {  	[dreg:$0x0] =	wrdreg $0xFFFFFFFF;
	(pc) =	sbr.abs _section_cstart, $3  }
0xc0: {  	[dreg:$0x1] =	wrdreg $0xFFFFFFFF  }
0xc1: {  	_ =	task.clear_ibuf [dreg:s7], $0x2FFFF;
	_ =	strace $0x9FFFFFFF  }
0xc2: {  	(tm) =	ssettm $0x7FFFFFFF  }
0xc3: {  	_ =	shalt  }
tec
execute0_lowered:
.L_overlay_start_1:
0x0: {  	(tag) =	ssettag $0x1  }
0x1: {  	s0 =	srdreg.scid  }
0x2: {  	s3 =	sand.u32 $0x1, s0;
	s0 =	stileid.u32  }
0x3: {  	s4 =	sor.u32 s0, s3  }
0x4: {  	p0 =	sne.s32 s4, $0x0  }
.Ltmp0:
0x5: {  	_ = 	snop;
	(pc) =	sbr.rel @p0 .LBB2_3-.Ltmp0, $4  }
0x6: {  	_ = 	snop  }
0x7: {  	s5 =	rddreg [dreg:$0x0]  }
0x8: {  	s2 =	rddreg [dreg:$0x1]  }
0x9: {  	s1 =	rddreg [dreg:$0x2];
	_ =	strace $0x8000004A  }
0xa: {  	v0 =	vimm.s32 $0xFEA540  }
0xb: {  	v0 =	vunpack.c.l.s2.s4 v0  }
0xc: {  	v1 =	vimm.s32 $0x24924924  }
0xd: {  	v2 =	vunpack.c.l.s2.s4 v1;
	v3 =	vunpack.c.l.s4.s8 v0  }
0xe: {  	v10 =	vlaneseq.u32;
	vm0 =	vmmov $0xffff  }
0xf: {  	vm1 =	vcmask $0x2F00;
	v4 =	vunpack.c.l.s4.s8 v2;
	v5 =	vunpack.c.0.s8.s32 v3  }
0x10: {  	v11 =	vimm.s32 $0x9080808;
	vm2 =	vcmask $0x2F20;
	v12 =	vimm.s32 $0xE0E0D0D  }
0x11: {  	vm3 =	vcmask $0x3730;
	v6 =	vunpack.c.0.s8.s32 v4;
	v4 =	vand.u32 $0x3, v5  }
0x12: {  	v5 =	vimm.s32 $0x77766655;
	v7 =	vnsel vm1, $0x5, v4;
	v4 =	vimm.s32 $0x49249249  }
0x13: {  	vm1 =	vcmask $0x3B30;
	v9 =	vunpack.c.l.s4.s8 v5;
	v8 =	vunpack.c.l.s2.s4 v4  }
0x14: {  	v1 =	vimm.s32 $0x1;
	v5 =	vand.u32 $0x3, v6;
	v6 =	vsel vm1, $0x4, v7  }
0x15: {  	v7 =	vunpack.c.l.s4.s8 v8;
	v8 =	vunpack.c.0.s8.s32 v9;
	v9 =	vimm.s32 $0xDCCCBBBA  }
0x16: {  	v11 =	vunpack.c.0.s8.s32 v11;
	v12 =	vunpack.c.0.s8.s32 v12;
	v9 =	vunpack.c.l.s4.s8 v9  }
0x17: {  	v0 =	vimm.s32 $0x0;
	v2 =	vimm.s32 $0x2;
	v3 =	vmul.u32 $0x80000, v10  }
0x18: {  	v10 =	vshrl.u32 v10, $0x1;
	vm1 =	vcmask $0x1F00;
	v9 =	vunpack.c.0.s8.s32 v9  }
0x19: {  	s6 =	ssub.s32 $0x2, s3;
	s3 =	sadd.s32 $0x200A00, s5;
	v4 =	vor.u32 $0x800000, v3;
	v7 =	vunpack.c.0.s8.s32 v7;
	v8 =	vnsel vm1, $0xA, v8  }
0x1a: {  	s4 =	sadd.s32 $0x200C00, s5;
	v8 =	vsel vm2, v11, v8;
	v11 =	vimm.s32 $0x92492492;
	v9 =	vnsel vm1, $0xF, v9  }
0x1b: {  	s5 =	sadd.s32 $0xA00, s5;
	s8 =	simm.s32 $0x2;
	s9 =	simm.s32 $0x80;
	vm1 =	vcmask $0xB08;
	v12 =	vsel vm2, v12, v9;
	vm2 =	vcmask $0x300  }
0x1c: {  	s10 =	simm.s32 $0x100;
	s11 =	simm.s32 $0x500;
	s12 =	simm.s32 $0x180;
	v11 =	vunpack.c.l.s2.s4 v11;
	vm1 =	vmor vm2, vm1;
	vm2 =	vcmask $0x1310  }
0x1d: {  	s13 =	simm.s32 $0x580;
	s14 =	simm.s32 $0x200;
	s15 =	simm.s32 $0x600;
	v7 =	vand.u32 $0x3, v7;
	vm1 =	vmor vm1, vm2;
	vm2 =	vcmask $0x1B18  }
0x1e: {  	s16 =	simm.s32 $0x280;
	s17 =	simm.s32 $0x680;
	s18 =	simm.s32 $0x300;
	v9 =	vunpack.c.l.s4.s8 v11;
	vm1 =	vmor vm1, vm2;
	vm2 =	vcmask $0x2320  }
0x1f: {  	s19 =	simm.s32 $0x700;
	s20 =	simm.s32 $0x380;
	s21 =	simm.s32 $0x780;
	v8 =	vsel vm3, $0x9, v8;
	vm1 =	vmor vm1, vm2;
	vm2 =	vcmask $0x2B28  }
0x20: {  	s22 =	simm.s32 $0x400;
	s23 =	simm.s32 $0x800;
	s24 =	simm.s32 $0x480;
	vm3 =	vcmask $0x3330;
	v9 =	vunpack.c.0.s8.s32 v9;
	vm1 =	vmor vm1, vm2  }
0x21: {  	s25 =	simm.s32 $0x880;
	s26 =	simm.s32 $0x1;
	s7 =	sshrl.u32 s6, $0x1;
	v11 =	vsel vm3, $0xE, v12;
	vm2 =	vcmask $0x3B38;
	vm1 =	vmor vm1, vm3  }
0x22: {  	s28 =	simm.s32 $0x900;
	s6 =	ssub.s32 s6, s7;
	s7 =	simm.s32 $0x0;
	v12 =	vor.u32 $0x8, v10;
	v9 =	vand.u32 $0x3, v9;
	vm1 =	vmor vm1, vm2  }
.LBB2_2:
0x23: {  	[tilespmem:s7], [sflag:$0x2] =	stream.linear.gather [hbm4b:s3+s7], $0x80, $0x38;
	[tilespmem:$0x980] =	vst v63  }
0x24: {  	_ =	swait.ge [sflag:s8], $0x80  }
0x25: {  	[sflag:s8] =	ssyncset.done $0x0  }
0x26: {  	[sflag:s8] =	ssyncadd.s32 $0xFFFFFF80  }
0x27: {  	[tilespmem:s9], [sflag:$0x2] =	stream.linear.gather [hbm4b:s4+s7], $0x80, $0x38;
	[tilespmem:$0x980] =	vst v63  }
0x28: {  	_ =	swait.ge [sflag:s8], $0x80  }
0x29: {  	[sflag:s8] =	ssyncset.done $0x0  }
0x2a: {  	[sflag:s8] =	ssyncadd.s32 $0xFFFFFF80  }
0x2b: {  	v14 =	vld [tilespmem:$0x0];
	_ =	sdelay $0x1  }
0x2c: {  	v13 =	vld [tilespmem:$0x80];
	_ =	sdelay $0x2  }
0x2d: {  	v15 =	vperm.xlane v14, v0  }
0x2e: {  	v16 =	vperm.xlane v14, v1;
	v17 =	vperm.xlane v14, v2  }
0x2f: {  	v15 =	vmul.f32 v15, v13  }
0x30: {  	v16 =	vmul.f32 v16, v13;
	v17 =	vmul.f32 v17, v13  }
0x31: {  	v18 =	vtrunc.f32 v15  }
0x32: {  	v20 =	vtrunc.f32 v16;
	v63 =	vtrunc.f32 v17  }
0x33: {  	v19 =	vcvt.f32.s32 v18;
	v21 =	vcvt.f32.s32 v20;
	vm2 =	vgt.f32 v16, v20  }
0x34: {  	v22 =	vcvt.f32.s32 v63;
	v20 =	vsel vm2, $0x1, v0;
	vm2 =	vgt.f32 v17, v63  }
0x35: {  	v16 =	vsel vm2, $0x1, v0;
	vm2 =	vgt.f32 v15, v18;
	v15 =	vadd.s32 v21, v20  }
0x36: {  	v24 =	vsel vm2, $0x1, v0;
	v16 =	vadd.s32 v22, v16;
	v15 =	vmul.u32 $0x9E3779B1, v15  }
0x37: {  	v17 =	vadd.s32 v19, v24;
	v16 =	vmul.u32 $0x30025795, v16  }
0x38: {  	v25 =	vxor.u32 v17, v15  }
0x39: {  	v26 =	vxor.u32 v16, v25  }
0x3a: {  	v20 =	vand.u32 $0x7FFFF, v26  }
0x3b: {  	v22 =	vmul.u32 $0x30025795, v22;
	v23 =	vor.u32 v3, v20;
	_ =	sdelay $0x1  }
0x3c: {  	v18 =	vxor.u32 v22, v25;
	v20 =	vor.u32 v4, v20  }
0x3d: {  	v21 =	vmul.u32 $0x9E3779B1, v21;
	v18 =	vand.u32 $0x7FFFF, v18  }
0x3e: {  	v24 =	vor.u32 v3, v18  }
0x3f: {  	v17 =	vxor.u32 v21, v17;
	[tilespmem:s10], [sflag:$0x1] =	stream.indirect_vreg.gather [hbm4b:s5+s7], $0x1, v23, vm0, $0xb8;
	[tilespmem:$0x980] =	vst v63  }
0x40: {  	v27 =	vxor.u32 v17, v16;
	v18 =	vor.u32 v4, v18  }
0x41: {  	v23 =	vand.u32 $0x7FFFF, v27;
	[tilespmem:s11], [sflag:$0x1] =	stream.indirect_vreg.gather [hbm4b:s5+s7], $0x1, v20, vm0, $0xb8;
	[tilespmem:$0x980] =	vst v63  }
0x42: {  	v28 =	vor.u32 v3, v23  }
0x43: {  	v15 =	vxor.u32 v19, v15;
	[tilespmem:s12], [sflag:$0x1] =	stream.indirect_vreg.gather [hbm4b:s5+s7], $0x1, v24, vm0, $0xb8;
	[tilespmem:$0x980] =	vst v63  }
0x44: {  	v29 =	vxor.u32 v16, v15;
	v23 =	vor.u32 v4, v23  }
0x45: {  	v24 =	vand.u32 $0x7FFFF, v29;
	[tilespmem:s13], [sflag:$0x1] =	stream.indirect_vreg.gather [hbm4b:s5+s7], $0x1, v18, vm0, $0xb8;
	[tilespmem:$0x980] =	vst v63  }
0x46: {  	v30 =	vor.u32 v3, v24  }
0x47: {  	[tilespmem:s14], [sflag:$0x1] =	stream.indirect_vreg.gather [hbm4b:s5+s7], $0x1, v28, vm0, $0xb8;
	[tilespmem:$0x980] =	vst v63  }
0x48: {  	v17 =	vxor.u32 v22, v17;
	v31 =	vor.u32 v4, v24  }
0x49: {  	v17 =	vand.u32 $0x7FFFF, v17;
	[tilespmem:s15], [sflag:$0x1] =	stream.indirect_vreg.gather [hbm4b:s5+s7], $0x1, v23, vm0, $0xb8;
	[tilespmem:$0x980] =	vst v63  }
0x4a: {  	v32 =	vor.u32 v3, v17  }
0x4b: {  	[tilespmem:s16], [sflag:$0x1] =	stream.indirect_vreg.gather [hbm4b:s5+s7], $0x1, v30, vm0, $0xb8;
	[tilespmem:$0x980] =	vst v63  }
0x4c: {  	v15 =	vxor.u32 v22, v15;
	v17 =	vor.u32 v4, v17  }
0x4d: {  	v15 =	vand.u32 $0x7FFFF, v15;
	[tilespmem:s17], [sflag:$0x1] =	stream.indirect_vreg.gather [hbm4b:s5+s7], $0x1, v31, vm0, $0xb8;
	[tilespmem:$0x980] =	vst v63  }
0x4e: {  	v33 =	vor.u32 v3, v15  }
0x4f: {  	v19 =	vxor.u32 v19, v21;
	[tilespmem:s18], [sflag:$0x1] =	stream.indirect_vreg.gather [hbm4b:s5+s7], $0x1, v32, vm0, $0xb8;
	[tilespmem:$0x980] =	vst v63  }
0x50: {  	v16 =	vxor.u32 v19, v16;
	v15 =	vor.u32 v4, v15  }
0x51: {  	v16 =	vand.u32 $0x7FFFF, v16;
	[tilespmem:s19], [sflag:$0x1] =	stream.indirect_vreg.gather [hbm4b:s5+s7], $0x1, v17, vm0, $0xb8;
	[tilespmem:$0x980] =	vst v63  }
0x52: {  	v34 =	vor.u32 v3, v16  }
0x53: {  	[tilespmem:s20], [sflag:$0x1] =	stream.indirect_vreg.gather [hbm4b:s5+s7], $0x1, v33, vm0, $0xb8;
	[tilespmem:$0x980] =	vst v63  }
0x54: {  	v35 =	vxor.u32 v22, v19;
	v16 =	vor.u32 v4, v16  }
0x55: {  	v18 =	vand.u32 $0x7FFFF, v35;
	[tilespmem:s21], [sflag:$0x1] =	stream.indirect_vreg.gather [hbm4b:s5+s7], $0x1, v15, vm0, $0xb8;
	[tilespmem:$0x980] =	vst v63  }
0x56: {  	v15 =	vor.u32 v3, v18  }
0x57: {  	[tilespmem:s22], [sflag:$0x1] =	stream.indirect_vreg.gather [hbm4b:s5+s7], $0x1, v34, vm0, $0xb8;
	[tilespmem:$0x980] =	vst v63  }
0x58: {  	v36 =	vor.u32 v4, v18  }
0x59: {  	[tilespmem:s23], [sflag:$0x1] =	stream.indirect_vreg.gather [hbm4b:s5+s7], $0x1, v16, vm0, $0xb8;
	[tilespmem:$0x980] =	vst v63  }
0x5a: {  	_ = 	snop  }
0x5b: {  	[tilespmem:s24], [sflag:$0x1] =	stream.indirect_vreg.gather [hbm4b:s5+s7], $0x1, v15, vm0, $0xb8;
	[tilespmem:$0x980] =	vst v63  }
0x5c: {  	_ = 	snop  }
0x5d: {  	[tilespmem:s25], [sflag:$0x1] =	stream.indirect_vreg.gather [hbm4b:s5+s7], $0x1, v36, vm0, $0xb8;
	[tilespmem:$0x980] =	vst v63  }
0x5e: {  	_ =	swait.ge [sflag:s26], $0x10  }
0x5f: {  	[sflag:s26] =	ssyncset.done $0x0  }
0x60: {  	[sflag:s26] =	ssyncadd.s32 $0xFFFFFFF0  }
0x61: {  	_ =	swait.ge [sflag:s26], $0x10  }
0x62: {  	[sflag:s26] =	ssyncset.done $0x0  }
0x63: {  	[sflag:s26] =	ssyncadd.s32 $0xFFFFFFF0  }
0x64: {  	_ =	swait.ge [sflag:s26], $0x10  }
0x65: {  	[sflag:s26] =	ssyncset.done $0x0  }
0x66: {  	[sflag:s26] =	ssyncadd.s32 $0xFFFFFFF0  }
0x67: {  	_ =	swait.ge [sflag:s26], $0x10  }
0x68: {  	[sflag:s26] =	ssyncset.done $0x0  }
0x69: {  	[sflag:s26] =	ssyncadd.s32 $0xFFFFFFF0  }
0x6a: {  	_ =	swait.ge [sflag:s26], $0x10  }
0x6b: {  	[sflag:s26] =	ssyncset.done $0x0  }
0x6c: {  	[sflag:s26] =	ssyncadd.s32 $0xFFFFFFF0  }
0x6d: {  	_ =	swait.ge [sflag:s26], $0x10  }
0x6e: {  	[sflag:s26] =	ssyncset.done $0x0  }
0x6f: {  	[sflag:s26] =	ssyncadd.s32 $0xFFFFFFF0  }
0x70: {  	_ =	swait.ge [sflag:s26], $0x10  }
0x71: {  	[sflag:s26] =	ssyncset.done $0x0  }
0x72: {  	[sflag:s26] =	ssyncadd.s32 $0xFFFFFFF0  }
0x73: {  	_ =	swait.ge [sflag:s26], $0x10  }
0x74: {  	[sflag:s26] =	ssyncset.done $0x0  }
0x75: {  	[sflag:s26] =	ssyncadd.s32 $0xFFFFFFF0  }
0x76: {  	_ =	swait.ge [sflag:s26], $0x10  }
0x77: {  	[sflag:s26] =	ssyncset.done $0x0  }
0x78: {  	[sflag:s26] =	ssyncadd.s32 $0xFFFFFFF0  }
0x79: {  	_ =	swait.ge [sflag:s26], $0x10  }
0x7a: {  	[sflag:s26] =	ssyncset.done $0x0  }
0x7b: {  	[sflag:s26] =	ssyncadd.s32 $0xFFFFFFF0  }
0x7c: {  	_ =	swait.ge [sflag:s26], $0x10  }
0x7d: {  	[sflag:s26] =	ssyncset.done $0x0  }
0x7e: {  	[sflag:s26] =	ssyncadd.s32 $0xFFFFFFF0  }
0x7f: {  	_ =	swait.ge [sflag:s26], $0x10  }
0x80: {  	[sflag:s26] =	ssyncset.done $0x0  }
0x81: {  	[sflag:s26] =	ssyncadd.s32 $0xFFFFFFF0  }
0x82: {  	_ =	swait.ge [sflag:s26], $0x10  }
0x83: {  	[sflag:s26] =	ssyncset.done $0x0  }
0x84: {  	[sflag:s26] =	ssyncadd.s32 $0xFFFFFFF0  }
0x85: {  	_ =	swait.ge [sflag:s26], $0x10  }
0x86: {  	[sflag:s26] =	ssyncset.done $0x0  }
0x87: {  	[sflag:s26] =	ssyncadd.s32 $0xFFFFFFF0  }
0x88: {  	_ =	swait.ge [sflag:s26], $0x10  }
0x89: {  	[sflag:s26] =	ssyncset.done $0x0  }
0x8a: {  	[sflag:s26] =	ssyncadd.s32 $0xFFFFFFF0  }
0x8b: {  	_ =	swait.ge [sflag:s26], $0x10  }
0x8c: {  	[sflag:s26] =	ssyncset.done $0x0  }
0x8d: {  	v37 =	vperm.xlane v13, v6;
	v15 =	vperm.xlane v14, v5;
	[sflag:s26] =	ssyncadd.s32 $0xFFFFFFF0  }
0x8e: {  	v38 =	vld [tilespmem:$0x100]  }
0x8f: {  	v39 =	vperm.xlane v14, v7;
	v15 =	vmul.f32 v37, v15;
	v41 =	vld [tilespmem:$0x180]  }
0x90: {  	v40 =	vperm.xlane v13, v8;
	v13 =	vperm.xlane v13, v11;
	v42 =	vld [tilespmem:$0x200]  }
0x91: {  	v14 =	vperm.xlane v14, v9;
	v16 =	vtrunc.f32 v15;
	v43 =	vld [tilespmem:$0x280]  }
0x92: {  	v16 =	vcvt.f32.s32 v16;
	v44 =	vld [tilespmem:$0x300]  }
0x93: {  	v13 =	vmul.f32 v13, v14;
	v45 =	vld [tilespmem:$0x380]  }
0x94: {  	v18 =	vmul.f32 v40, v39;
	v16 =	vcvt.s32.f32 v16;
	v14 =	vld [tilespmem:$0x400]  }
0x95: {  	v25 =	vtrunc.f32 v13;
	v47 =	vld [tilespmem:$0x480]  }
0x96: {  	v46 =	vtrunc.f32 v18;
	v25 =	vcvt.f32.s32 v25;
	v15 =	vsub.f32 v15, v16;
	v27 =	vld [tilespmem:$0x500]  }
0x97: {  	v16 =	vcvt.f32.s32 v46;
	v28 =	vld [tilespmem:$0x580]  }
0x98: {  	v25 =	vcvt.s32.f32 v25;
	v26 =	vsub.f32 $1.000000000e+00, v15;
	v29 =	vld [tilespmem:$0x600]  }
0x99: {  	v16 =	vcvt.s32.f32 v16;
	v30 =	vld [tilespmem:$0x680];
	v17 =	vmul.f32 v38, v15  }
0x9a: {  	v31 =	vld [tilespmem:$0x800];
	v19 =	vmul.f32 v43, v26;
	v20 =	vmul.f32 v41, v15  }
0x9b: {  	v32 =	vld [tilespmem:$0x880];
	v21 =	vmul.f32 v42, v26;
	v51 =	vmul.f32 v45, v15  }
0x9c: {  	v50 =	vld [tilespmem:$0x780];
	v14 =	vmul.f32 v14, v26;
	v22 =	vmul.f32 v44, v15  }
0x9d: {  	v16 =	vsub.f32 v18, v16;
	v48 =	vld [tilespmem:$0x700];
	v24 =	vmul.f32 v47, v26;
	v27 =	vmul.f32 v27, v15  }
0x9e: {  	v13 =	vsub.f32 v13, v25;
	v30 =	vmul.f32 v30, v26;
	v28 =	vmul.f32 v28, v15  }
0x9f: {  	v52 =	vsub.f32 $1.000000000e+00, v16;
	v29 =	vmul.f32 v29, v26;
	v53 =	vmul.f32 v31, v26  }
0xa0: {  	v54 =	vmul.f32 v32, v26;
	v17 =	vadd.f32 v19, v17;
	v49 =	vadd.f32 v21, v20  }
0xa1: {  	v22 =	vadd.f32 v24, v22;
	v20 =	vmul.f32 v50, v15;
	v14 =	vadd.f32 v14, v51  }
0xa2: {  	v15 =	vmul.f32 v48, v15;
	v56 =	vadd.f32 v30, v27;
	v17 =	vmul.f32 v17, v16  }
0xa3: {  	v57 =	vadd.f32 v29, v28;
	v19 =	vmul.f32 v49, v52;
	v55 =	vmul.f32 v22, v16  }
0xa4: {  	v14 =	vmul.f32 v14, v52;
	v20 =	vadd.f32 v53, v20;
	v15 =	vadd.f32 v54, v15  }
0xa5: {  	v58 =	vmul.f32 v56, v16;
	v59 =	vmul.f32 v57, v52  }
0xa6: {  	v61 =	vsub.f32 $1.000000000e+00, v13;
	v15 =	vmul.f32 v15, v16;
	v60 =	vmul.f32 v20, v52  }
0xa7: {  	v17 =	vadd.f32 v17, v19;
	v14 =	vadd.f32 v55, v14  }
0xa8: {  	v18 =	vadd.f32 v58, v59;
	v15 =	vadd.f32 v15, v60  }
0xa9: {  	v62 =	vmul.f32 v17, v13;
	v14 =	vmul.f32 v14, v61  }
0xaa: {  	v13 =	vmul.f32 v18, v13;
	v15 =	vmul.f32 v15, v61;
	_ =	sdelay $0x1  }
0xab: {  	v14 =	vadd.f32 v14, v62;
	v13 =	vadd.f32 v15, v13;
	_ =	sdelay $0x1  }
0xac: {  	v15 =	vperm.xlane v14, v10;
	v63 =	vperm.xlane v13, v10  }
0xad: {  	v14 =	vperm.xlane v14, v12;
	v13 =	vperm.xlane v13, v12  }
0xae: {  	v15 =	vsel vm1, v15, v63  }
0xaf: {  	p0 =	sne.s32 s6, $0x1;
	v13 =	vsel vm1, v14, v13;
	[tilespmem:$0x900] =	vst v15  }
.Ltmp1:
0xb0: {  	[tilespmem:$0x910] =	vst v13;
	(pc) =	sbr.rel @p0 .LBB2_2-.Ltmp1, $4  }
0xb1: {  	[hbm4b:s2+s7] =	stream.linear.scatter [tilespmem:s28], [sflag:$0x2], $0x80, $0x38;
	[tilespmem:$0x980] =	vst v63  }
0xb2: {  	_ =	swait.ge [sflag:s8], $0x80  }
0xb3: {  	[sflag:s8] =	ssyncset.done $0x0  }
0xb4: {  	s6 =	sadd.s32 $0xFFFFFFFF, s6;
	[sflag:s8] =	ssyncadd.s32 $0xFFFFFF80  }
.LBB2_3:
0xb5: {  	_ =	sfence.sel $0x180000  }
0xb6: {  	[bflag:$0x0] =	sbarrier.arrive $0xFFFF  }
0xb7: {  	p0 =	sne.s32 s0, $0x0;
	_ =	strace $0x9000004A  }
0xb8: {  	s0 =	sadd.s32 @!p0 $0x100000, s1;
	[bflag:$0x2] =	sbarrier.arrive $0xFFFF  }
0xb9: {  	[sflag:s0] =	ssyncadd.tile.s32 @!p0 $0x1;
	_ =	shalt  }
.Lfunc_end2:
_tile_overlayer_lowered:
.L_overlay_start_2:
0xba: {  	(tag) =	ssettag $0x2  }
0xbb: {  	s0 =	rddreg [dreg:$0x0];
	s2 =	stileid.u32  }
0xbc: {  	s1 =	rddreg [dreg:$0x1];
	p0 =	sne.s32 s2, $0x0  }
0xbd: {  	s3 =	rddreg [dreg:$0x2];
	[bflag:$0x3] =	sbarrier.arrive $0xFFFF;
	s2 =	simm.s32 @!p0 $0x1C02  }
0xbe: {  	[timem:s3], [sflag:s2] =	dma.local @!p0 [hbm:s0], s1  }
0xbf: {  	s0 =	simm.s32 @!p0 $0x2  }
0xc0: {  	_ =	swait.ge @!p0 [sflag:s0], s1  }
0xc1: {  	s1 =	ssub.s32 @!p0 $0x0, s1;
	[sflag:s0] =	ssyncset.done @!p0 $0x0  }
0xc2: {  	[sflag:s0] =	ssyncadd.s32 @!p0 s1  }
0xc3: {  	[bflag:$0x3] =	sbarrier.arrive $0xFFFF  }
0xc4: {  	_ =	shalt  }

// kernel: sparse-core-data-format-call.cloned.1.call-start
scs
called_computation_lowered:
.L_overlay_start_0:
0x0: {  	s2 =	sld [smem:$0x3FD9]  }
0x1: {  	s3 =	sld [smem:$0x3FFE];
	_ =	sdelay $0x1  }
0x2: {  	s1 =	srdreg.scid  }
0x3: {  	s0 =	sand.u32 $0x1, s1  }
0x4: {  	s18 =	sshll.u32 s0, $0xA;
	s2 =	sadd.s32 s3, s2  }
0x5: {  	s2 =	sadd.s32 s2, s18  }
0x6: {  	[smem:$0x3FC6] =	sst s2  }
0x7: {  	_ = 	snop  }
0x8: {  	s2 =	sld [smem:$0x3FC8];
	(tm) =	ssettm $0x1  }
0x9: {  	s19 =	sld [smem:$0x3FFB];
	_ =	sdelay $0x3  }
0xa: {  	_ =	strace s19  }
0xb: {  	s3 =	sld [smem:$0x3FFC];
	_ =	sdelay $0x3  }
0xc: {  	_ =	strace s3  }
0xd: {  	s3 =	sld [smem:$0x3FFD];
	_ =	sdelay $0x3  }
0xe: {  	_ =	strace s3  }
0xf: {  	_ =	strace $0x8FFFFFFF  }
0x10: {  	s20 =	sld [smem:$0x3FDB];
	_ =	sdelay $0x1  }
0x11: {  	s4 =	simm.s32 $_scs_section_size  }
0x12: {  	s5 =	simm.s32 $_size__tile_overlayer_lowered;
	s6 =	simm.s32 $_tile_overlayer_lowered  }
0x13: {  	s23 =	simm.s32 $0x1BFF;
	s22 =	sshll.u32 s6, $0x1;
	s3 =	sadd.s32 s4, s20  }
0x14: {  	s7 =	simm.s32 $0x0;
	s21 =	sshll.u32 s5, $0x1;
	s5 =	sadd.s32 s22, s3  }
0x15: {  	[timem:s7], [sflag:s23] =	dma.local [hbm:s5], s21  }
0x16: {  	_ =	swait.ge [sflag:s23], s21  }
0x17: {  	s4 =	ssub.s32 $0x0, s21;
	[sflag:s23] =	ssyncset.done $0x0  }
0x18: {  	[sflag:s23] =	ssyncadd.s32 s4;
	_ =	sdelay $0x1  }
0x19: {  	s24 =	simm.s32 $0x1B8B  }
0x1a: {  	_ =	swait.ge [sflag:s24], $0x1  }
0x1b: {  	[sflag:s24] =	ssyncset.done $0x0  }
0x1c: {  	s26 =	simm.s32 $0x1B8E;
	s25 =	sld [smem:$0x3FFE];
	[sflag:s24] =	ssyncadd.s32 $0xFFFFFFFF  }
0x1d: {  	s27 =	simm.s32 $execute0_lowered;
	[smem:$0x3FD2] =	sst s26  }
0x1e: {  	s5 =	sshll.u32 s27, $0x1;
	_ =	strace $0x80000046;
	[dreg:$0x1] =	wrdreg $0xFFFFFFFF  }
0x1f: {  	s28 =	simm.s32 $_size_execute0_lowered;
	s3 =	sadd.s32 s3, s5;
	[dreg:$0x0] =	wrdreg $0x0  }
0x20: {  	s5 =	sshll.u32 s28, $0x1;
	[dreg:$0x2] =	wrdreg s3  }
0x21: {  	[dreg:$0x3] =	wrdreg s5  }
0x22: {  	[dreg:$0x4] =	wrdreg $0xC0  }
0x23: {  	_ =	task [dreg:s7], $0x5FFFF  }
0x24: {  	[dreg:$0x1] =	wrdreg $0xFFFFFFFF  }
0x25: {  	[dreg:$0x0] =	wrdreg $0x60  }
0x26: {  	[dreg:$0x2] =	wrdreg s2  }
0x27: {  	[dreg:$0x3] =	wrdreg s25  }
0x28: {  	[dreg:$0x4] =	wrdreg $0x9  }
0x29: {  	_ =	task.clear_ibuf [dreg:s7], $0x5FFFF;
	_ =	strace $0x90000046  }
0x2a: {  	s29 =	simm.s32 $0x9;
	_ =	strace $0x80000048  }
0x2b: {  	_ =	swait.ge [sflag:s29], $0x1  }
0x2c: {  	[sflag:s29] =	ssyncadd.s32 $0xFFFFFFFF  }
0x2d: {  	_ =	strace $0x90000048  }
0x2e: {  	_ =	sfence  }
0x2f: {  	s30 =	sld [smem:$0x0];
	_ =	sdelay $0x2  }
0x30: {  	s31 =	sshll.u32 s1, $0xD;
	s1 =	sshrl.u32 s1, $0x2  }
0x31: {  	s3 =	sand.u32 $0x4000, s31;
	s1 =	sadd.s32 s1, s30  }
0x32: {  	s0 =	sor.u32 s3, s0;
	s1 =	sshll.u32 s1, $0x11  }
0x33: {  	s0 =	sor.u32 s1, s0  }
0x34: {  	s0 =	sadd.s32 $0x8F2B, s0  }
0x35: {  	[sflag:s0] =	ssyncadd.remote.s32 $0x1  }
0x36: {  	_ =	sfence.sel $0xFFFF  }
0x37: {  	[dreg:$0x0] =	wrdreg $0xFFFFFFFF;
	(pc) =	sbr.abs _section_cstart, $3  }
0x38: {  	[dreg:$0x1] =	wrdreg $0xFFFFFFFF  }
0x39: {  	_ =	task.clear_ibuf [dreg:s7], $0x2FFFF;
	_ =	strace $0x9FFFFFFF  }
0x3a: {  	(tm) =	ssettm $0x7FFFFFFF  }
0x3b: {  	_ =	shalt  }
tec
execute0_lowered:
.L_overlay_start_1:
0x0: {  	(tag) =	ssettag $0x1  }
0x1: {  	s0 =	srdreg.scid  }
0x2: {  	s1 =	sshll.u32 s0, $0x4  }
0x3: {  	s2 =	rddreg [dreg:$0x0];
	s0 =	stileid.u32;
	s1 =	sand.u32 $0x10, s1  }
0x4: {  	s4 =	rddreg [dreg:$0x1];
	s7 =	simm.s32 $0x1;
	s1 =	sor.u32 s0, s1  }
0x5: {  	s8 =	simm.s32 $0x2;
	s12 =	simm.s32 $0x0;
	s3 =	sshll.u32 s1, $0x6  }
0x6: {  	s9 =	simm.s32 $0x800000;
	s11 =	simm.s32 $0x0;
	s6 =	ssub.s32 $0x10000, s3  }
.Ltmp0:
0x7: {  	s4 =	sadd.s32 $0xA00, s4;
	s5 =	sand.u32 $0x7C0, s6;
	(pc) =	sbr.rel .LBB1_1-.Ltmp0, $4  }
0x8: {  	s1 =	rddreg [dreg:$0x2];
	_ =	strace $0x80000047;
	p0 =	sne.s32 s5, $0x0  }
0x9: {  	s6 =	sshrl.u32 s6, $0xB;
	s5 =	simm.s32 $0x1;
	s7 =	simm.s32 @!p0 $0x0  }
0xa: {  	s10 =	smov.u32 s3;
	[sflag:s5] =	ssyncpa.u1 $0x0;
	s6 =	sadd.s32 s7, s6  }
0xb: {  	[sflag:s8] =	ssyncpa.u1 $0x0;
	s8 =	simm.s32 $0x2000;
	s7 =	sadd.s32 $0x1, s6  }
.LBB1_7:
0xc: {  	s14 =	sadd.s32 $0x800, s10  }
0xd: {  	p1 =	sgt.s32 s14, $0xFFFF  }
0xe: {  	s14 =	smov.u32 @p1 s3;
	p1 =	sne.s32 s11, s7  }
.Ltmp1:
0xf: {  	p0 =	slt.u32 s11, $0x2;
	(pc) =	sbr.rel @!p1 .LBB1_8-.Ltmp1, $4  }
0x10: {  	s13 =	simm.s32 @!p0 $0x2  }
0x11: {  	_ =	swait.ge @!p0 [sflag:s13], $0x4000  }
0x12: {  	s15 =	sadd.s32 $0x1, s11;
	s12 =	smov.u32 s10;
	[sflag:s13] =	ssyncset.done @!p0 $0x0  }
0x13: {  	s11 =	smov.u32 s15;
	s10 =	smov.u32 s14;
	[sflag:s13] =	ssyncadd.s32 @!p0 $0xFFFFC000  }
.LBB1_1:
0x14: {  	p0 =	sge.u32 s11, s6  }
0x15: {  	s13 =	sxor.u32 @!p0 $0xFFFFFFFF, s11  }
0x16: {  	s31 =	sadd.s32 $0xFFFFFFFF, s11;
	s14 =	sshll.u32 @!p0 s10, $0x5;
	s13 =	sshll.u32 @!p0 s13, $0xE  }
0x17: {  	s15 =	simm.s32 @!p0 $0x0;
	s14 =	sadd.s32 @!p0 s2, s14;
	s13 =	sand.u32 @!p0 $0x4000, s13  }
0x18: {  	[tilespmem:s13], [sflag:$0x1] =	stream.linear.gather @!p0 [hbm4b:s14+s15], $0x4000, $0x38;
	[tilespmem:$0x10000] =	vst v63  }
0x19: {  	p0 =	sge.u32 s31, s6  }
.Ltmp2:
0x1a: {  	_ = 	snop;
	(pc) =	sbr.rel @p0 .LBB1_7-.Ltmp2, $1  }
0x1b: {  	_ =	sdelay $0x3  }
0x1c: {  	_ =	swait.ge [sflag:s5], $0x4000;
	s13 =	sshll.u32 s11, $0xE  }
0x1d: {  	[sflag:s5] =	ssyncset.done $0x0;
	s14 =	sand.u32 $0x4000, s13  }
0x1e: {  	s15 =	simm.s32 $0x0;
	[sflag:s5] =	ssyncadd.s32 $0xFFFFC000;
	s13 =	sor.u32 $0x8000, s14  }
.LBB1_3:
0x1f: {  	s16 =	sshll.u32 s15, $0x8  }
0x20: {  	s16 =	sand.u32 $0x3FFFFF00, s16  }
0x21: {  	s17 =	sshll.u32 s15, $0x7;
	s16 =	sadd.s32 s16, s14  }
0x22: {  	s17 =	sand.u32 $0x3FFFFF80, s17;
	v0 =	vmov s16  }
0x23: {  	s17 =	sadd.s32 s17, s13  }
0x24: {  	p0 =	por $0x1, $0x1;
	v1 =	vmov s17;
	s16 =	simm.s32 $0x0  }
.LBB1_4:
0x25: {  	s17 =	sshll.u32 s16, $0x7  }
0x26: {  	s17 =	sand.u32 $0x3FFFFF80, s17  }
0x27: {  	v2 =	vld.idx.msk [tilespmem:v0+s17+$0x0 ss:$0x1], $0xffff  }
0x28: {  	v3 =	vld.idx.msk [tilespmem:v0+s17+$0x10 ss:$0x1], $0xffff  }
0x29: {  	v4 =	vld.idx.msk [tilespmem:v0+s17+$0x20 ss:$0x1], $0xffff  }
0x2a: {  	s31 =	sshll.u32 s16, $0xD;
	v5 =	vld.idx.msk [tilespmem:v0+s17+$0x30 ss:$0x1], $0xffff  }
0x2b: {  	s16 =	sand.u32 $0x3FFFE000, s31;
	v6 =	vld.idx.msk [tilespmem:v0+s17+$0x40 ss:$0x1], $0xffff  }
0x2c: {  	v63 =	vld.idx.msk [tilespmem:v0+s17+$0x70 ss:$0x1], $0xffff;
	[tilespmem:v1+s16+$0x0 ss:$0x1] =	vst.idx.msk $0xffff, v2  }
0x2d: {  	v2 =	vld.idx.msk [tilespmem:v0+s17+$0x50 ss:$0x1], $0xffff;
	[tilespmem:v1+s16+$0x10 ss:$0x1] =	vst.idx.msk $0xffff, v3  }
0x2e: {  	p1 =	por p0, p0;
	v3 =	vld.idx.msk [tilespmem:v0+s17+$0x60 ss:$0x1], $0xffff;
	[tilespmem:v1+s16+$0x20 ss:$0x1] =	vst.idx.msk $0xffff, v4  }
.Ltmp3:
0x2f: {  	[tilespmem:v1+s16+$0x30 ss:$0x1] =	vst.idx.msk $0xffff, v5;
	(pc) =	sbr.rel @p1 .LBB1_4-.Ltmp3, $4  }
0x30: {  	[tilespmem:v1+s16+$0x40 ss:$0x1] =	vst.idx.msk $0xffff, v6  }
0x31: {  	[tilespmem:v1+s16+$0x70 ss:$0x1] =	vst.idx.msk $0xffff, v63  }
0x32: {  	[tilespmem:v1+s16+$0x50 ss:$0x1] =	vst.idx.msk $0xffff, v2  }
0x33: {  	p0 =	por $0x0, $0x0;
	[tilespmem:v1+s16+$0x60 ss:$0x1] =	vst.idx.msk $0xffff, v3;
	s16 =	simm.s32 $0x1  }
0x34: {  	s15 =	sadd.s32 $0x1, s15  }
0x35: {  	p0 =	sne.s32 s15, $0x40  }
.Ltmp4:
0x36: {  	_ = 	snop;
	(pc) =	sbr.rel @p0 .LBB1_3-.Ltmp4, $1  }
0x37: {  	_ =	sdelay $0x3  }
.Ltmp5:
0x38: {  	(pc) =	sbr.rel .LBB1_7-.Ltmp5, $4  }
0x39: {  	s12 =	sshll.u32 s12, $0x4  }
0x3a: {  	s12 =	sand.u32 $0xFFFF0, s12  }
0x3b: {  	s12 =	sadd.s32 s4, s12  }
0x3c: {  	[hbm4b:s12+s8] =	stream.strided.scatter [tilespmem:s13], [sflag:$0x2], $0x4000, s9, s8, $0x38;
	[tilespmem:$0x10000] =	vst v63  }
.LBB1_8:
0x3d: {  	_ =	sfence.sel $0x180000  }
0x3e: {  	s2 =	simm.s32 $0x1;
	[bflag:$0x0] =	sbarrier.arrive $0xFFFF  }
0x3f: {  	s31 =	simm.s32 $0x2;
	[sflag:s2] =	ssyncpa.u1 $0x1  }
0x40: {  	[sflag:s31] =	ssyncpa.u1 $0x1  }
0x41: {  	p0 =	sne.s32 s0, $0x0;
	_ =	strace $0x90000047  }
0x42: {  	s0 =	sadd.s32 @!p0 $0x100000, s1;
	[bflag:$0x2] =	sbarrier.arrive $0xFFFF  }
0x43: {  	[sflag:s0] =	ssyncadd.tile.s32 @!p0 $0x1;
	_ =	shalt  }
.Lfunc_end1:
_tile_overlayer_lowered:
.L_overlay_start_2:
0x44: {  	(tag) =	ssettag $0x2  }
0x45: {  	s0 =	rddreg [dreg:$0x0];
	s2 =	stileid.u32  }
0x46: {  	s1 =	rddreg [dreg:$0x1];
	p0 =	sne.s32 s2, $0x0  }
0x47: {  	s3 =	rddreg [dreg:$0x2];
	[bflag:$0x3] =	sbarrier.arrive $0xFFFF;
	s2 =	simm.s32 @!p0 $0x1C01  }
0x48: {  	[timem:s3], [sflag:s2] =	dma.local @!p0 [hbm:s0], s1  }
0x49: {  	s0 =	simm.s32 @!p0 $0x1  }
0x4a: {  	_ =	swait.ge @!p0 [sflag:s0], s1  }
0x4b: {  	s1 =	ssub.s32 @!p0 $0x0, s1;
	[sflag:s0] =	ssyncset.done @!p0 $0x0  }
0x4c: {  	[sflag:s0] =	ssyncadd.s32 @!p0 s1  }
0x4d: {  	[bflag:$0x3] =	sbarrier.arrive $0xFFFF  }
0x4e: {  	_ =	shalt  }

</sc_bundles>
